<compile_context>
chip_gen: v7x
topology: tpu7x:2x2x1
jax: 0.10.2.dev20260603
libtpu: 0.0.44.dev20260713+nightly
codegen_flags: <defaults>
</compile_context>

<pallas_src>
import functools

import jax
import jax.numpy as jnp
from jax import lax
from jax.experimental import pallas as pl
from jax.experimental.pallas import tpu as pltpu
from jax.experimental.pallas import tpu_sc as plsc

EMBED = 128
BATCH = 4096
SEQ = 200

NUM_CORES = 2
NUM_SUBCORES = 16
NUM_WORKERS = NUM_CORES * NUM_SUBCORES
BPW = BATCH // NUM_WORKERS
HPW = BPW // 2
CHUNK = BPW * SEQ
LANES = 16

N_SLOTS = 5
ROUNDS = SEQ // N_SLOTS
MASK_PER_ROUND = CHUNK // ROUNDS
MASK_VECS_PER_ROUND = MASK_PER_ROUND // LANES

_mesh = plsc.VectorSubcoreMesh(core_axis_name="c", subcore_axis_name="s")


@functools.partial(
    pl.kernel,
    mesh=_mesh,
    out_type=(
        jax.ShapeDtypeStruct((SEQ * BATCH, EMBED), jnp.float32),
        jax.ShapeDtypeStruct((BATCH * SEQ,), jnp.float32),
    ),
    scratch_types=[
        pltpu.VMEM((CHUNK,), jnp.int32),
        pltpu.VMEM((MASK_PER_ROUND,), jnp.float32),
        [pltpu.VMEM((BPW,), jnp.int32)] * N_SLOTS,
        [pltpu.VMEM((BPW, EMBED), jnp.float32)] * N_SLOTS,
        [pltpu.SemaphoreType.DMA] * N_SLOTS,
        [pltpu.SemaphoreType.DMA] * N_SLOTS,
        [pltpu.SemaphoreType.DMA] * N_SLOTS,
        pltpu.SemaphoreType.DMA,
    ],
    compiler_params=pltpu.CompilerParams(needs_layout_passes=False),
)
def _lookup(x_hbm, table_hbm, out_hbm, mask_hbm,
            x_v, mstage, idx, rows, gsemA, gsemB, wsem, msem):
    wid = lax.axis_index("s") * NUM_CORES + lax.axis_index("c")
    base = wid * CHUNK
    b0 = wid * BPW

    pltpu.sync_copy(x_hbm.at[pl.ds(base, CHUNK)], x_v)

    def build_idx(s, idx_ref):
        for g in range(BPW // LANES):
            bvec = lax.iota(jnp.int32, LANES) + (g * LANES)
            vals = plsc.load_gather(x_v, [bvec * SEQ + s])
            idx_ref[pl.ds(g * LANES, LANES)] = vals

    def gather_halves(j):
        a = pltpu.make_async_copy(
            table_hbm.at[idx[j].at[pl.ds(0, HPW)]],
            rows[j].at[pl.ds(0, HPW), :], gsemA[j])
        b = pltpu.make_async_copy(
            table_hbm.at[idx[j].at[pl.ds(HPW, HPW)]],
            rows[j].at[pl.ds(HPW, HPW), :], gsemB[j])
        return a, b

    def out_slice(s):
        return out_hbm.at[pl.ds(s * BATCH + b0, BPW), :]

    def mask_slice(i):
        return mask_hbm.at[pl.ds(base + i * MASK_PER_ROUND, MASK_PER_ROUND)]

    def body(i, c):
        for j in range(N_SLOTS):
            s = i * N_SLOTS + j

            @pl.when(i > 0)
            def _():
                pltpu.make_async_copy(rows[j], out_slice(s), wsem[j]).wait()

            build_idx(s, idx[j])
            ca, cb = gather_halves(j)
            ca.start()
            cb.start()

        @pl.when(i > 0)
        def _():
            pltpu.make_async_copy(mstage, mask_slice(i), msem).wait()

        m0 = i * MASK_PER_ROUND
        for t in range(MASK_VECS_PER_ROUND):
            v = x_v[pl.ds(m0 + t * LANES, LANES)]
            mstage[pl.ds(t * LANES, LANES)] = jnp.where(
                v != 0, jnp.float32(1.0), jnp.float32(0.0))
        pltpu.async_copy(mstage, mask_slice(i), msem)

        for j in range(N_SLOTS):
            s = i * N_SLOTS + j
            ca, cb = gather_halves(j)
            ca.wait()
            cb.wait()
            pltpu.async_copy(rows[j], out_slice(s), wsem[j])
        return c

    lax.fori_loop(0, ROUNDS, body, 0)

    for j in range(N_SLOTS):
        s = SEQ - N_SLOTS + j
        pltpu.make_async_copy(rows[j], out_slice(s), wsem[j]).wait()
    pltpu.make_async_copy(mstage, mask_slice(0), msem).wait()


def kernel(x, table):
    out_rows, mask_flat = _lookup(x.reshape(-1), table)
    return (out_rows.reshape(SEQ, BATCH, EMBED), mask_flat.reshape(BATCH, SEQ))

# --- scband reference (transcript-rebuilt; emitter-appended) ---
"""Pipeline reference for scband-glove-embedding-3109556322492 (READ-ONLY COPY).

The authoritative reference and input builder live on the scoring server;
editing this copy changes nothing except your own understanding.
"""

import jax, jax.numpy as jnp
import numpy as np

VOCAB = 100000
EMBED_DIM = 128
BATCH = 4096
SEQ_LEN = 200


def setup_inputs(seed: int = 0) -> dict:
    key = jax.random.key(seed)
    k_idx, k_tab = jax.random.split(key)
    x = jax.random.randint(k_idx, (BATCH, SEQ_LEN), 0, VOCAB, dtype=jnp.int64 if jax.config.jax_enable_x64 else jnp.int32)
    table = jax.random.normal(k_tab, (VOCAB, EMBED_DIM), dtype=jnp.float32) * 0.02
    return {"x": x, "table": table}


def compute_mask(x, padding_idx=0):
    # mirrors torch compute_mask: 1.0 where not padding, 0.0 where padding
    return (x != padding_idx).astype(jnp.float32)


def reference(x, table):
    mask = compute_mask(x)
    tmp_emb = jnp.take(table, x, axis=0)          # (batch, seq_len, embed_dim)
    out_emb = jnp.transpose(tmp_emb, (1, 0, 2))   # (seq_len, batch, embed_dim)
    return (out_emb, mask)

if __name__ == "__main__":
    import jax
    _d = setup_inputs()
    print(jax.jit(kernel)(*tuple(_d.values())))

</pallas_src>

<mosaic_0001>
#map = affine_map<(d0, d1) -> (0)>
#map1 = affine_map<(d0, d1) -> (0, 0)>
module attributes {stable_mosaic.version = 14 : i64} {
  func.func @_lookup(%arg0: i32, %arg1: i32, %arg2: memref<819200xi32, #tpu.memory_space<hbm>>, %arg3: memref<100000x128xf32, #tpu.memory_space<hbm>>, %arg4: memref<819200x128xf32, #tpu.memory_space<hbm>>, %arg5: memref<819200xf32, #tpu.memory_space<hbm>>, %arg6: memref<25600xi32, #tpu.memory_space<vmem>>, %arg7: memref<640xf32, #tpu.memory_space<vmem>>, %arg8: memref<128xi32, #tpu.memory_space<vmem>>, %arg9: memref<128xi32, #tpu.memory_space<vmem>>, %arg10: memref<128xi32, #tpu.memory_space<vmem>>, %arg11: memref<128xi32, #tpu.memory_space<vmem>>, %arg12: memref<128xi32, #tpu.memory_space<vmem>>, %arg13: memref<128x128xf32, #tpu.memory_space<vmem>>, %arg14: memref<128x128xf32, #tpu.memory_space<vmem>>, %arg15: memref<128x128xf32, #tpu.memory_space<vmem>>, %arg16: memref<128x128xf32, #tpu.memory_space<vmem>>, %arg17: memref<128x128xf32, #tpu.memory_space<vmem>>, %arg18: memref<!tpu.dma_semaphore, #tpu.memory_space<semaphore_mem>>, %arg19: memref<!tpu.dma_semaphore, #tpu.memory_space<semaphore_mem>>, %arg20: memref<!tpu.dma_semaphore, #tpu.memory_space<semaphore_mem>>, %arg21: memref<!tpu.dma_semaphore, #tpu.memory_space<semaphore_mem>>, %arg22: memref<!tpu.dma_semaphore, #tpu.memory_space<semaphore_mem>>, %arg23: memref<!tpu.dma_semaphore, #tpu.memory_space<semaphore_mem>>, %arg24: memref<!tpu.dma_semaphore, #tpu.memory_space<semaphore_mem>>, %arg25: memref<!tpu.dma_semaphore, #tpu.memory_space<semaphore_mem>>, %arg26: memref<!tpu.dma_semaphore, #tpu.memory_space<semaphore_mem>>, %arg27: memref<!tpu.dma_semaphore, #tpu.memory_space<semaphore_mem>>, %arg28: memref<!tpu.dma_semaphore, #tpu.memory_space<semaphore_mem>>, %arg29: memref<!tpu.dma_semaphore, #tpu.memory_space<semaphore_mem>>, %arg30: memref<!tpu.dma_semaphore, #tpu.memory_space<semaphore_mem>>, %arg31: memref<!tpu.dma_semaphore, #tpu.memory_space<semaphore_mem>>, %arg32: memref<!tpu.dma_semaphore, #tpu.memory_space<semaphore_mem>>, %arg33: memref<!tpu.dma_semaphore, #tpu.memory_space<semaphore_mem>>) attributes {dimension_semantics = [#tpu.dimension_semantics<core_parallel>, #tpu.dimension_semantics<subcore_parallel>], iteration_bounds = array<i64: 2, 16>, scalar_prefetch = 0 : i64, scratch_operands = 28 : i64, tpu.core_type = #tpu.core_type<sc_vector_subcore>, window_params = [{transform_indices = #map}, {transform_indices = #map1}, {transform_indices = #map1}, {transform_indices = #map}]} {
    %mul3A = arith.constant 2 : i32
    %mul3A_0 = arith.muli %arg1, %mul3A : i32
    %add3A = arith.addi %mul3A_0, %arg0 : i32
    %mul3A_1 = arith.constant 25600 : i32
    %mul3A_2 = arith.muli %add3A, %mul3A_1 : i32
    %mul3A_3 = arith.constant 128 : i32
    %mul3A_4 = arith.muli %add3A, %mul3A_3 : i32
    "tpu.region"() ({
      %run_scoped3A = tpu.sem_alloc : memref<!tpu.dma_semaphore, #tpu.memory_space<semaphore_mem>>
      %dma_start3A = tpu.memref_slice %arg2[%mul3A_2] : memref<819200xi32, #tpu.memory_space<hbm>> -> memref<25600xi32, #tpu.memory_space<hbm>>
      %dma_start3A_43 = tpu.memref_slice %arg2[%mul3A_2] : memref<819200xi32, #tpu.memory_space<hbm>> -> memref<25600xi32, #tpu.memory_space<hbm>>
      tpu.enqueue_dma source(%dma_start3A_43 : memref<25600xi32, #tpu.memory_space<hbm>>) target(%arg6 : memref<25600xi32, #tpu.memory_space<vmem>>) target_semaphore(%run_scoped3A : memref<!tpu.dma_semaphore, #tpu.memory_space<semaphore_mem>>)
      %dma_wait3A_44 = tpu.memref_slice %arg2[%mul3A_2] : memref<819200xi32, #tpu.memory_space<hbm>> -> memref<25600xi32, #tpu.memory_space<hbm>>
      %dma_wait3A_45 = tpu.memref_slice %arg2[%mul3A_2] : memref<819200xi32, #tpu.memory_space<hbm>> -> memref<25600xi32, #tpu.memory_space<hbm>>
      tpu.wait_dma2 semaphore(%run_scoped3A : memref<!tpu.dma_semaphore, #tpu.memory_space<semaphore_mem>>) src(%dma_wait3A_45 : memref<25600xi32, #tpu.memory_space<hbm>>) dst(%arg6 : memref<25600xi32, #tpu.memory_space<vmem>>)
      tpu.yield
    }) : () -> ()
    %scan3A = arith.constant 0 : i32
    %scan3A_5 = arith.constant 0 : i32
    %scan3A_6 = arith.constant 40 : i32
    %scan3A_7 = arith.addi %scan3A_5, %scan3A_6 : i32
    %scan3A_8 = arith.constant 1 : i32
    scf.for %scan3A_43 = %scan3A_5 to %scan3A_7 step %scan3A_8  : i32 {
      %mul3A_44 = arith.constant 5 : i32
      %mul3A_45 = arith.muli %scan3A_43, %mul3A_44 : i32
      %add3A_46 = arith.constant 0 : i32
      %add3A_47 = arith.addi %mul3A_45, %add3A_46 : i32
      %gt3A = arith.constant 0 : i32
      %gt3A_48 = arith.cmpi sgt, %scan3A_43, %gt3A : i32
      %convert_element_type3A = arith.extui %gt3A_48 : i1 to i32
      %cond3A = arith.constant 0 : i32
      %cond3A_49 = arith.cmpi ne, %convert_element_type3A, %cond3A : i32
      scf.if %cond3A_49 {
        %mul3A_1344 = arith.constant 4096 : i32
        %mul3A_1345 = arith.muli %add3A_47, %mul3A_1344 : i32
        %add3A_1346 = arith.addi %mul3A_1345, %mul3A_4 : i32
        %dma_wait3A_1347 = arith.constant 0 : i32
        %dma_wait3A_1348 = tpu.memref_slice %arg4[%add3A_1346, %dma_wait3A_1347] : memref<819200x128xf32, #tpu.memory_space<hbm>> -> memref<128x128xf32, #tpu.memory_space<hbm>>
        %dma_wait3A_1349 = arith.constant 0 : i32
        %dma_wait3A_1350 = tpu.memref_slice %arg4[%add3A_1346, %dma_wait3A_1349] : memref<819200x128xf32, #tpu.memory_space<hbm>> -> memref<128x128xf32, #tpu.memory_space<hbm>>
        tpu.wait_dma2 semaphore(%arg28 : memref<!tpu.dma_semaphore, #tpu.memory_space<semaphore_mem>>) src(%arg13 : memref<128x128xf32, #tpu.memory_space<vmem>>) dst(%dma_wait3A_1350 : memref<128x128xf32, #tpu.memory_space<hbm>>)
      } else {
      }
      %iota3A = tpu.iota {dimensions = array<i32: 0>} : vector<16xi32>
      %add3A_50 = arith.constant 0 : i32
      %add3A_51 = vector.broadcast %add3A_50 : i32 to vector<16xi32>
      %add3A_52 = arith.addi %iota3A, %add3A_51 : vector<16xi32>
      %mul3A_53 = arith.constant 200 : i32
      %mul3A_54 = vector.broadcast %mul3A_53 : i32 to vector<16xi32>
      %mul3A_55 = arith.muli %add3A_52, %mul3A_54 : vector<16xi32>
      %add3A_56 = vector.broadcast %add3A_47 : i32 to vector<16xi32>
      %add3A_57 = arith.addi %mul3A_55, %add3A_56 : vector<16xi32>
      %gather3A = tpu.vector_load_idx %arg6[%add3A_57] : memref<25600xi32, #tpu.memory_space<vmem>>[vector<16xi32>], vector<16xi32>,
      %swap3A = arith.constant 0 : index
      %swap3A_58 = tpu.vector_load %arg8[%swap3A] {strides = array<i32>} : memref<128xi32, #tpu.memory_space<vmem>>, vector<16xi32>,
      tpu.vector_store %arg8[%swap3A], %gather3A {strides = array<i32>} : memref<128xi32, #tpu.memory_space<vmem>>, vector<16xi32>,
      %iota3A_59 = tpu.iota {dimensions = array<i32: 0>} : vector<16xi32>
      %add3A_60 = arith.constant 16 : i32
      %add3A_61 = vector.broadcast %add3A_60 : i32 to vector<16xi32>
      %add3A_62 = arith.addi %iota3A_59, %add3A_61 : vector<16xi32>
      %mul3A_63 = arith.constant 200 : i32
      %mul3A_64 = vector.broadcast %mul3A_63 : i32 to vector<16xi32>
      %mul3A_65 = arith.muli %add3A_62, %mul3A_64 : vector<16xi32>
      %add3A_66 = vector.broadcast %add3A_47 : i32 to vector<16xi32>
      %add3A_67 = arith.addi %mul3A_65, %add3A_66 : vector<16xi32>
      %gather3A_68 = tpu.vector_load_idx %arg6[%add3A_67] : memref<25600xi32, #tpu.memory_space<vmem>>[vector<16xi32>], vector<16xi32>,
      %swap3A_69 = arith.constant 16 : index
      %swap3A_70 = tpu.vector_load %arg8[%swap3A_69] {strides = array<i32>} : memref<128xi32, #tpu.memory_space<vmem>>, vector<16xi32>,
      tpu.vector_store %arg8[%swap3A_69], %gather3A_68 {strides = array<i32>} : memref<128xi32, #tpu.memory_space<vmem>>, vector<16xi32>,
      %iota3A_71 = tpu.iota {dimensions = array<i32: 0>} : vector<16xi32>
      %add3A_72 = arith.constant 32 : i32
      %add3A_73 = vector.broadcast %add3A_72 : i32 to vector<16xi32>
      %add3A_74 = arith.addi %iota3A_71, %add3A_73 : vector<16xi32>
      %mul3A_75 = arith.constant 200 : i32
      %mul3A_76 = vector.broadcast %mul3A_75 : i32 to vector<16xi32>
      %mul3A_77 = arith.muli %add3A_74, %mul3A_76 : vector<16xi32>
      %add3A_78 = vector.broadcast %add3A_47 : i32 to vector<16xi32>
      %add3A_79 = arith.addi %mul3A_77, %add3A_78 : vector<16xi32>
      %gather3A_80 = tpu.vector_load_idx %arg6[%add3A_79] : memref<25600xi32, #tpu.memory_space<vmem>>[vector<16xi32>], vector<16xi32>,
      %swap3A_81 = arith.constant 32 : index
      %swap3A_82 = tpu.vector_load %arg8[%swap3A_81] {strides = array<i32>} : memref<128xi32, #tpu.memory_space<vmem>>, vector<16xi32>,
      tpu.vector_store %arg8[%swap3A_81], %gather3A_80 {strides = array<i32>} : memref<128xi32, #tpu.memory_space<vmem>>, vector<16xi32>,
      %iota3A_83 = tpu.iota {dimensions = array<i32: 0>} : vector<16xi32>
      %add3A_84 = arith.constant 48 : i32
      %add3A_85 = vector.broadcast %add3A_84 : i32 to vector<16xi32>
      %add3A_86 = arith.addi %iota3A_83, %add3A_85 : vector<16xi32>
      %mul3A_87 = arith.constant 200 : i32
      %mul3A_88 = vector.broadcast %mul3A_87 : i32 to vector<16xi32>
      %mul3A_89 = arith.muli %add3A_86, %mul3A_88 : vector<16xi32>
      %add3A_90 = vector.broadcast %add3A_47 : i32 to vector<16xi32>
      %add3A_91 = arith.addi %mul3A_89, %add3A_90 : vector<16xi32>
      %gather3A_92 = tpu.vector_load_idx %arg6[%add3A_91] : memref<25600xi32, #tpu.memory_space<vmem>>[vector<16xi32>], vector<16xi32>,
      %swap3A_93 = arith.constant 48 : index
      %swap3A_94 = tpu.vector_load %arg8[%swap3A_93] {strides = array<i32>} : memref<128xi32, #tpu.memory_space<vmem>>, vector<16xi32>,
      tpu.vector_store %arg8[%swap3A_93], %gather3A_92 {strides = array<i32>} : memref<128xi32, #tpu.memory_space<vmem>>, vector<16xi32>,
      %iota3A_95 = tpu.iota {dimensions = array<i32: 0>} : vector<16xi32>
      %add3A_96 = arith.constant 64 : i32
      %add3A_97 = vector.broadcast %add3A_96 : i32 to vector<16xi32>
      %add3A_98 = arith.addi %iota3A_95, %add3A_97 : vector<16xi32>
      %mul3A_99 = arith.constant 200 : i32
      %mul3A_100 = vector.broadcast %mul3A_99 : i32 to vector<16xi32>
      %mul3A_101 = arith.muli %add3A_98, %mul3A_100 : vector<16xi32>
      %add3A_102 = vector.broadcast %add3A_47 : i32 to vector<16xi32>
      %add3A_103 = arith.addi %mul3A_101, %add3A_102 : vector<16xi32>
      %gather3A_104 = tpu.vector_load_idx %arg6[%add3A_103] : memref<25600xi32, #tpu.memory_space<vmem>>[vector<16xi32>], vector<16xi32>,
      %swap3A_105 = arith.constant 64 : index
      %swap3A_106 = tpu.vector_load %arg8[%swap3A_105] {strides = array<i32>} : memref<128xi32, #tpu.memory_space<vmem>>, vector<16xi32>,
      tpu.vector_store %arg8[%swap3A_105], %gather3A_104 {strides = array<i32>} : memref<128xi32, #tpu.memory_space<vmem>>, vector<16xi32>,
      %iota3A_107 = tpu.iota {dimensions = array<i32: 0>} : vector<16xi32>
      %add3A_108 = arith.constant 80 : i32
      %add3A_109 = vector.broadcast %add3A_108 : i32 to vector<16xi32>
      %add3A_110 = arith.addi %iota3A_107, %add3A_109 : vector<16xi32>
      %mul3A_111 = arith.constant 200 : i32
      %mul3A_112 = vector.broadcast %mul3A_111 : i32 to vector<16xi32>
      %mul3A_113 = arith.muli %add3A_110, %mul3A_112 : vector<16xi32>
      %add3A_114 = vector.broadcast %add3A_47 : i32 to vector<16xi32>
      %add3A_115 = arith.addi %mul3A_113, %add3A_114 : vector<16xi32>
      %gather3A_116 = tpu.vector_load_idx %arg6[%add3A_115] : memref<25600xi32, #tpu.memory_space<vmem>>[vector<16xi32>], vector<16xi32>,
      %swap3A_117 = arith.constant 80 : index
      %swap3A_118 = tpu.vector_load %arg8[%swap3A_117] {strides = array<i32>} : memref<128xi32, #tpu.memory_space<vmem>>, vector<16xi32>,
      tpu.vector_store %arg8[%swap3A_117], %gather3A_116 {strides = array<i32>} : memref<128xi32, #tpu.memory_space<vmem>>, vector<16xi32>,
      %iota3A_119 = tpu.iota {dimensions = array<i32: 0>} : vector<16xi32>
      %add3A_120 = arith.constant 96 : i32
      %add3A_121 = vector.broadcast %add3A_120 : i32 to vector<16xi32>
      %add3A_122 = arith.addi %iota3A_119, %add3A_121 : vector<16xi32>
      %mul3A_123 = arith.constant 200 : i32
      %mul3A_124 = vector.broadcast %mul3A_123 : i32 to vector<16xi32>
      %mul3A_125 = arith.muli %add3A_122, %mul3A_124 : vector<16xi32>
      %add3A_126 = vector.broadcast %add3A_47 : i32 to vector<16xi32>
      %add3A_127 = arith.addi %mul3A_125, %add3A_126 : vector<16xi32>
      %gather3A_128 = tpu.vector_load_idx %arg6[%add3A_127] : memref<25600xi32, #tpu.memory_space<vmem>>[vector<16xi32>], vector<16xi32>,
      %swap3A_129 = arith.constant 96 : index
      %swap3A_130 = tpu.vector_load %arg8[%swap3A_129] {strides = array<i32>} : memref<128xi32, #tpu.memory_space<vmem>>, vector<16xi32>,
      tpu.vector_store %arg8[%swap3A_129], %gather3A_128 {strides = array<i32>} : memref<128xi32, #tpu.memory_space<vmem>>, vector<16xi32>,
      %iota3A_131 = tpu.iota {dimensions = array<i32: 0>} : vector<16xi32>
      %add3A_132 = arith.constant 112 : i32
      %add3A_133 = vector.broadcast %add3A_132 : i32 to vector<16xi32>
      %add3A_134 = arith.addi %iota3A_131, %add3A_133 : vector<16xi32>
      %mul3A_135 = arith.constant 200 : i32
      %mul3A_136 = vector.broadcast %mul3A_135 : i32 to vector<16xi32>
      %mul3A_137 = arith.muli %add3A_134, %mul3A_136 : vector<16xi32>
      %add3A_138 = vector.broadcast %add3A_47 : i32 to vector<16xi32>
      %add3A_139 = arith.addi %mul3A_137, %add3A_138 : vector<16xi32>
      %gather3A_140 = tpu.vector_load_idx %arg6[%add3A_139] : memref<25600xi32, #tpu.memory_space<vmem>>[vector<16xi32>], vector<16xi32>,
      %swap3A_141 = arith.constant 112 : index
      %swap3A_142 = tpu.vector_load %arg8[%swap3A_141] {strides = array<i32>} : memref<128xi32, #tpu.memory_space<vmem>>, vector<16xi32>,
      tpu.vector_store %arg8[%swap3A_141], %gather3A_140 {strides = array<i32>} : memref<128xi32, #tpu.memory_space<vmem>>, vector<16xi32>,
      %dma_start3A = arith.constant 0 : i32
      %dma_start3A_143 = arith.constant 0 : i32
      %dma_start3A_144 = tpu.memref_slice %arg13[%dma_start3A, %dma_start3A_143] : memref<128x128xf32, #tpu.memory_space<vmem>> -> memref<64x128xf32, #tpu.memory_space<vmem>>
      %dma_start3A_145 = arith.constant 0 : i32
      %dma_start3A_146 = tpu.memref_slice %arg8[%dma_start3A_145] : memref<128xi32, #tpu.memory_space<vmem>> -> memref<64xi32, #tpu.memory_space<vmem>>
      %dma_start3A_147 = arith.constant 0 : i32
      %dma_start3A_148 = arith.constant 0 : i32
      %dma_start3A_149 = tpu.memref_slice %arg3[%dma_start3A_147, %dma_start3A_148] : memref<100000x128xf32, #tpu.memory_space<hbm>> -> memref<100000x128xf32, #tpu.memory_space<hbm>>
      tpu.enqueue_indirect_dma source(%dma_start3A_149 : memref<100000x128xf32, #tpu.memory_space<hbm>>) target(%dma_start3A_144 : memref<64x128xf32, #tpu.memory_space<vmem>>) offsets(%dma_start3A_146 : memref<64xi32, #tpu.memory_space<vmem>>) semaphore(%arg18 : memref<!tpu.dma_semaphore, #tpu.memory_space<semaphore_mem>>)
      %dma_start3A_150 = arith.constant 64 : i32
      %dma_start3A_151 = arith.constant 0 : i32
      %dma_start3A_152 = tpu.memref_slice %arg13[%dma_start3A_150, %dma_start3A_151] : memref<128x128xf32, #tpu.memory_space<vmem>> -> memref<64x128xf32, #tpu.memory_space<vmem>>
      %dma_start3A_153 = arith.constant 64 : i32
      %dma_start3A_154 = tpu.memref_slice %arg8[%dma_start3A_153] : memref<128xi32, #tpu.memory_space<vmem>> -> memref<64xi32, #tpu.memory_space<vmem>>
      %dma_start3A_155 = arith.constant 0 : i32
      %dma_start3A_156 = arith.constant 0 : i32
      %dma_start3A_157 = tpu.memref_slice %arg3[%dma_start3A_155, %dma_start3A_156] : memref<100000x128xf32, #tpu.memory_space<hbm>> -> memref<100000x128xf32, #tpu.memory_space<hbm>>
      tpu.enqueue_indirect_dma source(%dma_start3A_157 : memref<100000x128xf32, #tpu.memory_space<hbm>>) target(%dma_start3A_152 : memref<64x128xf32, #tpu.memory_space<vmem>>) offsets(%dma_start3A_154 : memref<64xi32, #tpu.memory_space<vmem>>) semaphore(%arg23 : memref<!tpu.dma_semaphore, #tpu.memory_space<semaphore_mem>>)
      %mul3A_158 = arith.constant 5 : i32
      %mul3A_159 = arith.muli %scan3A_43, %mul3A_158 : i32
      %add3A_160 = arith.constant 1 : i32
      %add3A_161 = arith.addi %mul3A_159, %add3A_160 : i32
      %gt3A_162 = arith.constant 0 : i32
      %gt3A_163 = arith.cmpi sgt, %scan3A_43, %gt3A_162 : i32
      %convert_element_type3A_164 = arith.extui %gt3A_163 : i1 to i32
      %cond3A_165 = arith.constant 0 : i32
      %cond3A_166 = arith.cmpi ne, %convert_element_type3A_164, %cond3A_165 : i32
      scf.if %cond3A_166 {
        %mul3A_1344 = arith.constant 4096 : i32
        %mul3A_1345 = arith.muli %add3A_161, %mul3A_1344 : i32
        %add3A_1346 = arith.addi %mul3A_1345, %mul3A_4 : i32
        %dma_wait3A_1347 = arith.constant 0 : i32
        %dma_wait3A_1348 = tpu.memref_slice %arg4[%add3A_1346, %dma_wait3A_1347] : memref<819200x128xf32, #tpu.memory_space<hbm>> -> memref<128x128xf32, #tpu.memory_space<hbm>>
        %dma_wait3A_1349 = arith.constant 0 : i32
        %dma_wait3A_1350 = tpu.memref_slice %arg4[%add3A_1346, %dma_wait3A_1349] : memref<819200x128xf32, #tpu.memory_space<hbm>> -> memref<128x128xf32, #tpu.memory_space<hbm>>
        tpu.wait_dma2 semaphore(%arg29 : memref<!tpu.dma_semaphore, #tpu.memory_space<semaphore_mem>>) src(%arg14 : memref<128x128xf32, #tpu.memory_space<vmem>>) dst(%dma_wait3A_1350 : memref<128x128xf32, #tpu.memory_space<hbm>>)
      } else {
      }
      %iota3A_167 = tpu.iota {dimensions = array<i32: 0>} : vector<16xi32>
      %add3A_168 = arith.constant 0 : i32
      %add3A_169 = vector.broadcast %add3A_168 : i32 to vector<16xi32>
      %add3A_170 = arith.addi %iota3A_167, %add3A_169 : vector<16xi32>
      %mul3A_171 = arith.constant 200 : i32
      %mul3A_172 = vector.broadcast %mul3A_171 : i32 to vector<16xi32>
      %mul3A_173 = arith.muli %add3A_170, %mul3A_172 : vector<16xi32>
      %add3A_174 = vector.broadcast %add3A_161 : i32 to vector<16xi32>
      %add3A_175 = arith.addi %mul3A_173, %add3A_174 : vector<16xi32>
      %gather3A_176 = tpu.vector_load_idx %arg6[%add3A_175] : memref<25600xi32, #tpu.memory_space<vmem>>[vector<16xi32>], vector<16xi32>,
      %swap3A_177 = arith.constant 0 : index
      %swap3A_178 = tpu.vector_load %arg9[%swap3A_177] {strides = array<i32>} : memref<128xi32, #tpu.memory_space<vmem>>, vector<16xi32>,
      tpu.vector_store %arg9[%swap3A_177], %gather3A_176 {strides = array<i32>} : memref<128xi32, #tpu.memory_space<vmem>>, vector<16xi32>,
      %iota3A_179 = tpu.iota {dimensions = array<i32: 0>} : vector<16xi32>
      %add3A_180 = arith.constant 16 : i32
      %add3A_181 = vector.broadcast %add3A_180 : i32 to vector<16xi32>
      %add3A_182 = arith.addi %iota3A_179, %add3A_181 : vector<16xi32>
      %mul3A_183 = arith.constant 200 : i32
      %mul3A_184 = vector.broadcast %mul3A_183 : i32 to vector<16xi32>
      %mul3A_185 = arith.muli %add3A_182, %mul3A_184 : vector<16xi32>
      %add3A_186 = vector.broadcast %add3A_161 : i32 to vector<16xi32>
      %add3A_187 = arith.addi %mul3A_185, %add3A_186 : vector<16xi32>
      %gather3A_188 = tpu.vector_load_idx %arg6[%add3A_187] : memref<25600xi32, #tpu.memory_space<vmem>>[vector<16xi32>], vector<16xi32>,
      %swap3A_189 = arith.constant 16 : index
      %swap3A_190 = tpu.vector_load %arg9[%swap3A_189] {strides = array<i32>} : memref<128xi32, #tpu.memory_space<vmem>>, vector<16xi32>,
      tpu.vector_store %arg9[%swap3A_189], %gather3A_188 {strides = array<i32>} : memref<128xi32, #tpu.memory_space<vmem>>, vector<16xi32>,
      %iota3A_191 = tpu.iota {dimensions = array<i32: 0>} : vector<16xi32>
      %add3A_192 = arith.constant 32 : i32
      %add3A_193 = vector.broadcast %add3A_192 : i32 to vector<16xi32>
      %add3A_194 = arith.addi %iota3A_191, %add3A_193 : vector<16xi32>
      %mul3A_195 = arith.constant 200 : i32
      %mul3A_196 = vector.broadcast %mul3A_195 : i32 to vector<16xi32>
      %mul3A_197 = arith.muli %add3A_194, %mul3A_196 : vector<16xi32>
      %add3A_198 = vector.broadcast %add3A_161 : i32 to vector<16xi32>
      %add3A_199 = arith.addi %mul3A_197, %add3A_198 : vector<16xi32>
      %gather3A_200 = tpu.vector_load_idx %arg6[%add3A_199] : memref<25600xi32, #tpu.memory_space<vmem>>[vector<16xi32>], vector<16xi32>,
      %swap3A_201 = arith.constant 32 : index
      %swap3A_202 = tpu.vector_load %arg9[%swap3A_201] {strides = array<i32>} : memref<128xi32, #tpu.memory_space<vmem>>, vector<16xi32>,
      tpu.vector_store %arg9[%swap3A_201], %gather3A_200 {strides = array<i32>} : memref<128xi32, #tpu.memory_space<vmem>>, vector<16xi32>,
      %iota3A_203 = tpu.iota {dimensions = array<i32: 0>} : vector<16xi32>
      %add3A_204 = arith.constant 48 : i32
      %add3A_205 = vector.broadcast %add3A_204 : i32 to vector<16xi32>
      %add3A_206 = arith.addi %iota3A_203, %add3A_205 : vector<16xi32>
      %mul3A_207 = arith.constant 200 : i32
      %mul3A_208 = vector.broadcast %mul3A_207 : i32 to vector<16xi32>
      %mul3A_209 = arith.muli %add3A_206, %mul3A_208 : vector<16xi32>
      %add3A_210 = vector.broadcast %add3A_161 : i32 to vector<16xi32>
      %add3A_211 = arith.addi %mul3A_209, %add3A_210 : vector<16xi32>
      %gather3A_212 = tpu.vector_load_idx %arg6[%add3A_211] : memref<25600xi32, #tpu.memory_space<vmem>>[vector<16xi32>], vector<16xi32>,
      %swap3A_213 = arith.constant 48 : index
      %swap3A_214 = tpu.vector_load %arg9[%swap3A_213] {strides = array<i32>} : memref<128xi32, #tpu.memory_space<vmem>>, vector<16xi32>,
      tpu.vector_store %arg9[%swap3A_213], %gather3A_212 {strides = array<i32>} : memref<128xi32, #tpu.memory_space<vmem>>, vector<16xi32>,
      %iota3A_215 = tpu.iota {dimensions = array<i32: 0>} : vector<16xi32>
      %add3A_216 = arith.constant 64 : i32
      %add3A_217 = vector.broadcast %add3A_216 : i32 to vector<16xi32>
      %add3A_218 = arith.addi %iota3A_215, %add3A_217 : vector<16xi32>
      %mul3A_219 = arith.constant 200 : i32
      %mul3A_220 = vector.broadcast %mul3A_219 : i32 to vector<16xi32>
      %mul3A_221 = arith.muli %add3A_218, %mul3A_220 : vector<16xi32>
      %add3A_222 = vector.broadcast %add3A_161 : i32 to vector<16xi32>
      %add3A_223 = arith.addi %mul3A_221, %add3A_222 : vector<16xi32>
      %gather3A_224 = tpu.vector_load_idx %arg6[%add3A_223] : memref<25600xi32, #tpu.memory_space<vmem>>[vector<16xi32>], vector<16xi32>,
      %swap3A_225 = arith.constant 64 : index
      %swap3A_226 = tpu.vector_load %arg9[%swap3A_225] {strides = array<i32>} : memref<128xi32, #tpu.memory_space<vmem>>, vector<16xi32>,
      tpu.vector_store %arg9[%swap3A_225], %gather3A_224 {strides = array<i32>} : memref<128xi32, #tpu.memory_space<vmem>>, vector<16xi32>,
      %iota3A_227 = tpu.iota {dimensions = array<i32: 0>} : vector<16xi32>
      %add3A_228 = arith.constant 80 : i32
      %add3A_229 = vector.broadcast %add3A_228 : i32 to vector<16xi32>
      %add3A_230 = arith.addi %iota3A_227, %add3A_229 : vector<16xi32>
      %mul3A_231 = arith.constant 200 : i32
      %mul3A_232 = vector.broadcast %mul3A_231 : i32 to vector<16xi32>
      %mul3A_233 = arith.muli %add3A_230, %mul3A_232 : vector<16xi32>
      %add3A_234 = vector.broadcast %add3A_161 : i32 to vector<16xi32>
      %add3A_235 = arith.addi %mul3A_233, %add3A_234 : vector<16xi32>
      %gather3A_236 = tpu.vector_load_idx %arg6[%add3A_235] : memref<25600xi32, #tpu.memory_space<vmem>>[vector<16xi32>], vector<16xi32>,
      %swap3A_237 = arith.constant 80 : index
      %swap3A_238 = tpu.vector_load %arg9[%swap3A_237] {strides = array<i32>} : memref<128xi32, #tpu.memory_space<vmem>>, vector<16xi32>,
      tpu.vector_store %arg9[%swap3A_237], %gather3A_236 {strides = array<i32>} : memref<128xi32, #tpu.memory_space<vmem>>, vector<16xi32>,
      %iota3A_239 = tpu.iota {dimensions = array<i32: 0>} : vector<16xi32>
      %add3A_240 = arith.constant 96 : i32
      %add3A_241 = vector.broadcast %add3A_240 : i32 to vector<16xi32>
      %add3A_242 = arith.addi %iota3A_239, %add3A_241 : vector<16xi32>
      %mul3A_243 = arith.constant 200 : i32
      %mul3A_244 = vector.broadcast %mul3A_243 : i32 to vector<16xi32>
      %mul3A_245 = arith.muli %add3A_242, %mul3A_244 : vector<16xi32>
      %add3A_246 = vector.broadcast %add3A_161 : i32 to vector<16xi32>
      %add3A_247 = arith.addi %mul3A_245, %add3A_246 : vector<16xi32>
      %gather3A_248 = tpu.vector_load_idx %arg6[%add3A_247] : memref<25600xi32, #tpu.memory_space<vmem>>[vector<16xi32>], vector<16xi32>,
      %swap3A_249 = arith.constant 96 : index
      %swap3A_250 = tpu.vector_load %arg9[%swap3A_249] {strides = array<i32>} : memref<128xi32, #tpu.memory_space<vmem>>, vector<16xi32>,
      tpu.vector_store %arg9[%swap3A_249], %gather3A_248 {strides = array<i32>} : memref<128xi32, #tpu.memory_space<vmem>>, vector<16xi32>,
      %iota3A_251 = tpu.iota {dimensions = array<i32: 0>} : vector<16xi32>
      %add3A_252 = arith.constant 112 : i32
      %add3A_253 = vector.broadcast %add3A_252 : i32 to vector<16xi32>
      %add3A_254 = arith.addi %iota3A_251, %add3A_253 : vector<16xi32>
      %mul3A_255 = arith.constant 200 : i32
      %mul3A_256 = vector.broadcast %mul3A_255 : i32 to vector<16xi32>
      %mul3A_257 = arith.muli %add3A_254, %mul3A_256 : vector<16xi32>
      %add3A_258 = vector.broadcast %add3A_161 : i32 to vector<16xi32>
      %add3A_259 = arith.addi %mul3A_257, %add3A_258 : vector<16xi32>
      %gather3A_260 = tpu.vector_load_idx %arg6[%add3A_259] : memref<25600xi32, #tpu.memory_space<vmem>>[vector<16xi32>], vector<16xi32>,
      %swap3A_261 = arith.constant 112 : index
      %swap3A_262 = tpu.vector_load %arg9[%swap3A_261] {strides = array<i32>} : memref<128xi32, #tpu.memory_space<vmem>>, vector<16xi32>,
      tpu.vector_store %arg9[%swap3A_261], %gather3A_260 {strides = array<i32>} : memref<128xi32, #tpu.memory_space<vmem>>, vector<16xi32>,
      %dma_start3A_263 = arith.constant 0 : i32
      %dma_start3A_264 = arith.constant 0 : i32
      %dma_start3A_265 = tpu.memref_slice %arg14[%dma_start3A_263, %dma_start3A_264] : memref<128x128xf32, #tpu.memory_space<vmem>> -> memref<64x128xf32, #tpu.memory_space<vmem>>
      %dma_start3A_266 = arith.constant 0 : i32
      %dma_start3A_267 = tpu.memref_slice %arg9[%dma_start3A_266] : memref<128xi32, #tpu.memory_space<vmem>> -> memref<64xi32, #tpu.memory_space<vmem>>
      %dma_start3A_268 = arith.constant 0 : i32
      %dma_start3A_269 = arith.constant 0 : i32
      %dma_start3A_270 = tpu.memref_slice %arg3[%dma_start3A_268, %dma_start3A_269] : memref<100000x128xf32, #tpu.memory_space<hbm>> -> memref<100000x128xf32, #tpu.memory_space<hbm>>
      tpu.enqueue_indirect_dma source(%dma_start3A_270 : memref<100000x128xf32, #tpu.memory_space<hbm>>) target(%dma_start3A_265 : memref<64x128xf32, #tpu.memory_space<vmem>>) offsets(%dma_start3A_267 : memref<64xi32, #tpu.memory_space<vmem>>) semaphore(%arg19 : memref<!tpu.dma_semaphore, #tpu.memory_space<semaphore_mem>>)
      %dma_start3A_271 = arith.constant 64 : i32
      %dma_start3A_272 = arith.constant 0 : i32
      %dma_start3A_273 = tpu.memref_slice %arg14[%dma_start3A_271, %dma_start3A_272] : memref<128x128xf32, #tpu.memory_space<vmem>> -> memref<64x128xf32, #tpu.memory_space<vmem>>
      %dma_start3A_274 = arith.constant 64 : i32
      %dma_start3A_275 = tpu.memref_slice %arg9[%dma_start3A_274] : memref<128xi32, #tpu.memory_space<vmem>> -> memref<64xi32, #tpu.memory_space<vmem>>
      %dma_start3A_276 = arith.constant 0 : i32
      %dma_start3A_277 = arith.constant 0 : i32
      %dma_start3A_278 = tpu.memref_slice %arg3[%dma_start3A_276, %dma_start3A_277] : memref<100000x128xf32, #tpu.memory_space<hbm>> -> memref<100000x128xf32, #tpu.memory_space<hbm>>
      tpu.enqueue_indirect_dma source(%dma_start3A_278 : memref<100000x128xf32, #tpu.memory_space<hbm>>) target(%dma_start3A_273 : memref<64x128xf32, #tpu.memory_space<vmem>>) offsets(%dma_start3A_275 : memref<64xi32, #tpu.memory_space<vmem>>) semaphore(%arg24 : memref<!tpu.dma_semaphore, #tpu.memory_space<semaphore_mem>>)
      %mul3A_279 = arith.constant 5 : i32
      %mul3A_280 = arith.muli %scan3A_43, %mul3A_279 : i32
      %add3A_281 = arith.constant 2 : i32
      %add3A_282 = arith.addi %mul3A_280, %add3A_281 : i32
      %gt3A_283 = arith.constant 0 : i32
      %gt3A_284 = arith.cmpi sgt, %scan3A_43, %gt3A_283 : i32
      %convert_element_type3A_285 = arith.extui %gt3A_284 : i1 to i32
      %cond3A_286 = arith.constant 0 : i32
      %cond3A_287 = arith.cmpi ne, %convert_element_type3A_285, %cond3A_286 : i32
      scf.if %cond3A_287 {
        %mul3A_1344 = arith.constant 4096 : i32
        %mul3A_1345 = arith.muli %add3A_282, %mul3A_1344 : i32
        %add3A_1346 = arith.addi %mul3A_1345, %mul3A_4 : i32
        %dma_wait3A_1347 = arith.constant 0 : i32
        %dma_wait3A_1348 = tpu.memref_slice %arg4[%add3A_1346, %dma_wait3A_1347] : memref<819200x128xf32, #tpu.memory_space<hbm>> -> memref<128x128xf32, #tpu.memory_space<hbm>>
        %dma_wait3A_1349 = arith.constant 0 : i32
        %dma_wait3A_1350 = tpu.memref_slice %arg4[%add3A_1346, %dma_wait3A_1349] : memref<819200x128xf32, #tpu.memory_space<hbm>> -> memref<128x128xf32, #tpu.memory_space<hbm>>
        tpu.wait_dma2 semaphore(%arg30 : memref<!tpu.dma_semaphore, #tpu.memory_space<semaphore_mem>>) src(%arg15 : memref<128x128xf32, #tpu.memory_space<vmem>>) dst(%dma_wait3A_1350 : memref<128x128xf32, #tpu.memory_space<hbm>>)
      } else {
      }
      %iota3A_288 = tpu.iota {dimensions = array<i32: 0>} : vector<16xi32>
      %add3A_289 = arith.constant 0 : i32
      %add3A_290 = vector.broadcast %add3A_289 : i32 to vector<16xi32>
      %add3A_291 = arith.addi %iota3A_288, %add3A_290 : vector<16xi32>
      %mul3A_292 = arith.constant 200 : i32
      %mul3A_293 = vector.broadcast %mul3A_292 : i32 to vector<16xi32>
      %mul3A_294 = arith.muli %add3A_291, %mul3A_293 : vector<16xi32>
      %add3A_295 = vector.broadcast %add3A_282 : i32 to vector<16xi32>
      %add3A_296 = arith.addi %mul3A_294, %add3A_295 : vector<16xi32>
      %gather3A_297 = tpu.vector_load_idx %arg6[%add3A_296] : memref<25600xi32, #tpu.memory_space<vmem>>[vector<16xi32>], vector<16xi32>,
      %swap3A_298 = arith.constant 0 : index
      %swap3A_299 = tpu.vector_load %arg10[%swap3A_298] {strides = array<i32>} : memref<128xi32, #tpu.memory_space<vmem>>, vector<16xi32>,
      tpu.vector_store %arg10[%swap3A_298], %gather3A_297 {strides = array<i32>} : memref<128xi32, #tpu.memory_space<vmem>>, vector<16xi32>,
      %iota3A_300 = tpu.iota {dimensions = array<i32: 0>} : vector<16xi32>
      %add3A_301 = arith.constant 16 : i32
      %add3A_302 = vector.broadcast %add3A_301 : i32 to vector<16xi32>
      %add3A_303 = arith.addi %iota3A_300, %add3A_302 : vector<16xi32>
      %mul3A_304 = arith.constant 200 : i32
      %mul3A_305 = vector.broadcast %mul3A_304 : i32 to vector<16xi32>
      %mul3A_306 = arith.muli %add3A_303, %mul3A_305 : vector<16xi32>
      %add3A_307 = vector.broadcast %add3A_282 : i32 to vector<16xi32>
      %add3A_308 = arith.addi %mul3A_306, %add3A_307 : vector<16xi32>
      %gather3A_309 = tpu.vector_load_idx %arg6[%add3A_308] : memref<25600xi32, #tpu.memory_space<vmem>>[vector<16xi32>], vector<16xi32>,
      %swap3A_310 = arith.constant 16 : index
      %swap3A_311 = tpu.vector_load %arg10[%swap3A_310] {strides = array<i32>} : memref<128xi32, #tpu.memory_space<vmem>>, vector<16xi32>,
      tpu.vector_store %arg10[%swap3A_310], %gather3A_309 {strides = array<i32>} : memref<128xi32, #tpu.memory_space<vmem>>, vector<16xi32>,
      %iota3A_312 = tpu.iota {dimensions = array<i32: 0>} : vector<16xi32>
      %add3A_313 = arith.constant 32 : i32
      %add3A_314 = vector.broadcast %add3A_313 : i32 to vector<16xi32>
      %add3A_315 = arith.addi %iota3A_312, %add3A_314 : vector<16xi32>
      %mul3A_316 = arith.constant 200 : i32
      %mul3A_317 = vector.broadcast %mul3A_316 : i32 to vector<16xi32>
      %mul3A_318 = arith.muli %add3A_315, %mul3A_317 : vector<16xi32>
      %add3A_319 = vector.broadcast %add3A_282 : i32 to vector<16xi32>
      %add3A_320 = arith.addi %mul3A_318, %add3A_319 : vector<16xi32>
      %gather3A_321 = tpu.vector_load_idx %arg6[%add3A_320] : memref<25600xi32, #tpu.memory_space<vmem>>[vector<16xi32>], vector<16xi32>,
      %swap3A_322 = arith.constant 32 : index
      %swap3A_323 = tpu.vector_load %arg10[%swap3A_322] {strides = array<i32>} : memref<128xi32, #tpu.memory_space<vmem>>, vector<16xi32>,
      tpu.vector_store %arg10[%swap3A_322], %gather3A_321 {strides = array<i32>} : memref<128xi32, #tpu.memory_space<vmem>>, vector<16xi32>,
      %iota3A_324 = tpu.iota {dimensions = array<i32: 0>} : vector<16xi32>
      %add3A_325 = arith.constant 48 : i32
      %add3A_326 = vector.broadcast %add3A_325 : i32 to vector<16xi32>
      %add3A_327 = arith.addi %iota3A_324, %add3A_326 : vector<16xi32>
      %mul3A_328 = arith.constant 200 : i32
      %mul3A_329 = vector.broadcast %mul3A_328 : i32 to vector<16xi32>
      %mul3A_330 = arith.muli %add3A_327, %mul3A_329 : vector<16xi32>
      %add3A_331 = vector.broadcast %add3A_282 : i32 to vector<16xi32>
      %add3A_332 = arith.addi %mul3A_330, %add3A_331 : vector<16xi32>
      %gather3A_333 = tpu.vector_load_idx %arg6[%add3A_332] : memref<25600xi32, #tpu.memory_space<vmem>>[vector<16xi32>], vector<16xi32>,
      %swap3A_334 = arith.constant 48 : index
      %swap3A_335 = tpu.vector_load %arg10[%swap3A_334] {strides = array<i32>} : memref<128xi32, #tpu.memory_space<vmem>>, vector<16xi32>,
      tpu.vector_store %arg10[%swap3A_334], %gather3A_333 {strides = array<i32>} : memref<128xi32, #tpu.memory_space<vmem>>, vector<16xi32>,
      %iota3A_336 = tpu.iota {dimensions = array<i32: 0>} : vector<16xi32>
      %add3A_337 = arith.constant 64 : i32
      %add3A_338 = vector.broadcast %add3A_337 : i32 to vector<16xi32>
      %add3A_339 = arith.addi %iota3A_336, %add3A_338 : vector<16xi32>
      %mul3A_340 = arith.constant 200 : i32
      %mul3A_341 = vector.broadcast %mul3A_340 : i32 to vector<16xi32>
      %mul3A_342 = arith.muli %add3A_339, %mul3A_341 : vector<16xi32>
      %add3A_343 = vector.broadcast %add3A_282 : i32 to vector<16xi32>
      %add3A_344 = arith.addi %mul3A_342, %add3A_343 : vector<16xi32>
      %gather3A_345 = tpu.vector_load_idx %arg6[%add3A_344] : memref<25600xi32, #tpu.memory_space<vmem>>[vector<16xi32>], vector<16xi32>,
      %swap3A_346 = arith.constant 64 : index
      %swap3A_347 = tpu.vector_load %arg10[%swap3A_346] {strides = array<i32>} : memref<128xi32, #tpu.memory_space<vmem>>, vector<16xi32>,
      tpu.vector_store %arg10[%swap3A_346], %gather3A_345 {strides = array<i32>} : memref<128xi32, #tpu.memory_space<vmem>>, vector<16xi32>,
      %iota3A_348 = tpu.iota {dimensions = array<i32: 0>} : vector<16xi32>
      %add3A_349 = arith.constant 80 : i32
      %add3A_350 = vector.broadcast %add3A_349 : i32 to vector<16xi32>
      %add3A_351 = arith.addi %iota3A_348, %add3A_350 : vector<16xi32>
      %mul3A_352 = arith.constant 200 : i32
      %mul3A_353 = vector.broadcast %mul3A_352 : i32 to vector<16xi32>
      %mul3A_354 = arith.muli %add3A_351, %mul3A_353 : vector<16xi32>
      %add3A_355 = vector.broadcast %add3A_282 : i32 to vector<16xi32>
      %add3A_356 = arith.addi %mul3A_354, %add3A_355 : vector<16xi32>
      %gather3A_357 = tpu.vector_load_idx %arg6[%add3A_356] : memref<25600xi32, #tpu.memory_space<vmem>>[vector<16xi32>], vector<16xi32>,
      %swap3A_358 = arith.constant 80 : index
      %swap3A_359 = tpu.vector_load %arg10[%swap3A_358] {strides = array<i32>} : memref<128xi32, #tpu.memory_space<vmem>>, vector<16xi32>,
      tpu.vector_store %arg10[%swap3A_358], %gather3A_357 {strides = array<i32>} : memref<128xi32, #tpu.memory_space<vmem>>, vector<16xi32>,
      %iota3A_360 = tpu.iota {dimensions = array<i32: 0>} : vector<16xi32>
      %add3A_361 = arith.constant 96 : i32
      %add3A_362 = vector.broadcast %add3A_361 : i32 to vector<16xi32>
      %add3A_363 = arith.addi %iota3A_360, %add3A_362 : vector<16xi32>
      %mul3A_364 = arith.constant 200 : i32
      %mul3A_365 = vector.broadcast %mul3A_364 : i32 to vector<16xi32>
      %mul3A_366 = arith.muli %add3A_363, %mul3A_365 : vector<16xi32>
      %add3A_367 = vector.broadcast %add3A_282 : i32 to vector<16xi32>
      %add3A_368 = arith.addi %mul3A_366, %add3A_367 : vector<16xi32>
      %gather3A_369 = tpu.vector_load_idx %arg6[%add3A_368] : memref<25600xi32, #tpu.memory_space<vmem>>[vector<16xi32>], vector<16xi32>,
      %swap3A_370 = arith.constant 96 : index
      %swap3A_371 = tpu.vector_load %arg10[%swap3A_370] {strides = array<i32>} : memref<128xi32, #tpu.memory_space<vmem>>, vector<16xi32>,
      tpu.vector_store %arg10[%swap3A_370], %gather3A_369 {strides = array<i32>} : memref<128xi32, #tpu.memory_space<vmem>>, vector<16xi32>,
      %iota3A_372 = tpu.iota {dimensions = array<i32: 0>} : vector<16xi32>
      %add3A_373 = arith.constant 112 : i32
      %add3A_374 = vector.broadcast %add3A_373 : i32 to vector<16xi32>
      %add3A_375 = arith.addi %iota3A_372, %add3A_374 : vector<16xi32>
      %mul3A_376 = arith.constant 200 : i32
      %mul3A_377 = vector.broadcast %mul3A_376 : i32 to vector<16xi32>
      %mul3A_378 = arith.muli %add3A_375, %mul3A_377 : vector<16xi32>
      %add3A_379 = vector.broadcast %add3A_282 : i32 to vector<16xi32>
      %add3A_380 = arith.addi %mul3A_378, %add3A_379 : vector<16xi32>
      %gather3A_381 = tpu.vector_load_idx %arg6[%add3A_380] : memref<25600xi32, #tpu.memory_space<vmem>>[vector<16xi32>], vector<16xi32>,
      %swap3A_382 = arith.constant 112 : index
      %swap3A_383 = tpu.vector_load %arg10[%swap3A_382] {strides = array<i32>} : memref<128xi32, #tpu.memory_space<vmem>>, vector<16xi32>,
      tpu.vector_store %arg10[%swap3A_382], %gather3A_381 {strides = array<i32>} : memref<128xi32, #tpu.memory_space<vmem>>, vector<16xi32>,
      %dma_start3A_384 = arith.constant 0 : i32
      %dma_start3A_385 = arith.constant 0 : i32
      %dma_start3A_386 = tpu.memref_slice %arg15[%dma_start3A_384, %dma_start3A_385] : memref<128x128xf32, #tpu.memory_space<vmem>> -> memref<64x128xf32, #tpu.memory_space<vmem>>
      %dma_start3A_387 = arith.constant 0 : i32
      %dma_start3A_388 = tpu.memref_slice %arg10[%dma_start3A_387] : memref<128xi32, #tpu.memory_space<vmem>> -> memref<64xi32, #tpu.memory_space<vmem>>
      %dma_start3A_389 = arith.constant 0 : i32
      %dma_start3A_390 = arith.constant 0 : i32
      %dma_start3A_391 = tpu.memref_slice %arg3[%dma_start3A_389, %dma_start3A_390] : memref<100000x128xf32, #tpu.memory_space<hbm>> -> memref<100000x128xf32, #tpu.memory_space<hbm>>
      tpu.enqueue_indirect_dma source(%dma_start3A_391 : memref<100000x128xf32, #tpu.memory_space<hbm>>) target(%dma_start3A_386 : memref<64x128xf32, #tpu.memory_space<vmem>>) offsets(%dma_start3A_388 : memref<64xi32, #tpu.memory_space<vmem>>) semaphore(%arg20 : memref<!tpu.dma_semaphore, #tpu.memory_space<semaphore_mem>>)
      %dma_start3A_392 = arith.constant 64 : i32
      %dma_start3A_393 = arith.constant 0 : i32
      %dma_start3A_394 = tpu.memref_slice %arg15[%dma_start3A_392, %dma_start3A_393] : memref<128x128xf32, #tpu.memory_space<vmem>> -> memref<64x128xf32, #tpu.memory_space<vmem>>
      %dma_start3A_395 = arith.constant 64 : i32
      %dma_start3A_396 = tpu.memref_slice %arg10[%dma_start3A_395] : memref<128xi32, #tpu.memory_space<vmem>> -> memref<64xi32, #tpu.memory_space<vmem>>
      %dma_start3A_397 = arith.constant 0 : i32
      %dma_start3A_398 = arith.constant 0 : i32
      %dma_start3A_399 = tpu.memref_slice %arg3[%dma_start3A_397, %dma_start3A_398] : memref<100000x128xf32, #tpu.memory_space<hbm>> -> memref<100000x128xf32, #tpu.memory_space<hbm>>
      tpu.enqueue_indirect_dma source(%dma_start3A_399 : memref<100000x128xf32, #tpu.memory_space<hbm>>) target(%dma_start3A_394 : memref<64x128xf32, #tpu.memory_space<vmem>>) offsets(%dma_start3A_396 : memref<64xi32, #tpu.memory_space<vmem>>) semaphore(%arg25 : memref<!tpu.dma_semaphore, #tpu.memory_space<semaphore_mem>>)
      %mul3A_400 = arith.constant 5 : i32
      %mul3A_401 = arith.muli %scan3A_43, %mul3A_400 : i32
      %add3A_402 = arith.constant 3 : i32
      %add3A_403 = arith.addi %mul3A_401, %add3A_402 : i32
      %gt3A_404 = arith.constant 0 : i32
      %gt3A_405 = arith.cmpi sgt, %scan3A_43, %gt3A_404 : i32
      %convert_element_type3A_406 = arith.extui %gt3A_405 : i1 to i32
      %cond3A_407 = arith.constant 0 : i32
      %cond3A_408 = arith.cmpi ne, %convert_element_type3A_406, %cond3A_407 : i32
      scf.if %cond3A_408 {
        %mul3A_1344 = arith.constant 4096 : i32
        %mul3A_1345 = arith.muli %add3A_403, %mul3A_1344 : i32
        %add3A_1346 = arith.addi %mul3A_1345, %mul3A_4 : i32
        %dma_wait3A_1347 = arith.constant 0 : i32
        %dma_wait3A_1348 = tpu.memref_slice %arg4[%add3A_1346, %dma_wait3A_1347] : memref<819200x128xf32, #tpu.memory_space<hbm>> -> memref<128x128xf32, #tpu.memory_space<hbm>>
        %dma_wait3A_1349 = arith.constant 0 : i32
        %dma_wait3A_1350 = tpu.memref_slice %arg4[%add3A_1346, %dma_wait3A_1349] : memref<819200x128xf32, #tpu.memory_space<hbm>> -> memref<128x128xf32, #tpu.memory_space<hbm>>
        tpu.wait_dma2 semaphore(%arg31 : memref<!tpu.dma_semaphore, #tpu.memory_space<semaphore_mem>>) src(%arg16 : memref<128x128xf32, #tpu.memory_space<vmem>>) dst(%dma_wait3A_1350 : memref<128x128xf32, #tpu.memory_space<hbm>>)
      } else {
      }
      %iota3A_409 = tpu.iota {dimensions = array<i32: 0>} : vector<16xi32>
      %add3A_410 = arith.constant 0 : i32
      %add3A_411 = vector.broadcast %add3A_410 : i32 to vector<16xi32>
      %add3A_412 = arith.addi %iota3A_409, %add3A_411 : vector<16xi32>
      %mul3A_413 = arith.constant 200 : i32
      %mul3A_414 = vector.broadcast %mul3A_413 : i32 to vector<16xi32>
      %mul3A_415 = arith.muli %add3A_412, %mul3A_414 : vector<16xi32>
      %add3A_416 = vector.broadcast %add3A_403 : i32 to vector<16xi32>
      %add3A_417 = arith.addi %mul3A_415, %add3A_416 : vector<16xi32>
      %gather3A_418 = tpu.vector_load_idx %arg6[%add3A_417] : memref<25600xi32, #tpu.memory_space<vmem>>[vector<16xi32>], vector<16xi32>,
      %swap3A_419 = arith.constant 0 : index
      %swap3A_420 = tpu.vector_load %arg11[%swap3A_419] {strides = array<i32>} : memref<128xi32, #tpu.memory_space<vmem>>, vector<16xi32>,
      tpu.vector_store %arg11[%swap3A_419], %gather3A_418 {strides = array<i32>} : memref<128xi32, #tpu.memory_space<vmem>>, vector<16xi32>,
      %iota3A_421 = tpu.iota {dimensions = array<i32: 0>} : vector<16xi32>
      %add3A_422 = arith.constant 16 : i32
      %add3A_423 = vector.broadcast %add3A_422 : i32 to vector<16xi32>
      %add3A_424 = arith.addi %iota3A_421, %add3A_423 : vector<16xi32>
      %mul3A_425 = arith.constant 200 : i32
      %mul3A_426 = vector.broadcast %mul3A_425 : i32 to vector<16xi32>
      %mul3A_427 = arith.muli %add3A_424, %mul3A_426 : vector<16xi32>
      %add3A_428 = vector.broadcast %add3A_403 : i32 to vector<16xi32>
      %add3A_429 = arith.addi %mul3A_427, %add3A_428 : vector<16xi32>
      %gather3A_430 = tpu.vector_load_idx %arg6[%add3A_429] : memref<25600xi32, #tpu.memory_space<vmem>>[vector<16xi32>], vector<16xi32>,
      %swap3A_431 = arith.constant 16 : index
      %swap3A_432 = tpu.vector_load %arg11[%swap3A_431] {strides = array<i32>} : memref<128xi32, #tpu.memory_space<vmem>>, vector<16xi32>,
      tpu.vector_store %arg11[%swap3A_431], %gather3A_430 {strides = array<i32>} : memref<128xi32, #tpu.memory_space<vmem>>, vector<16xi32>,
      %iota3A_433 = tpu.iota {dimensions = array<i32: 0>} : vector<16xi32>
      %add3A_434 = arith.constant 32 : i32
      %add3A_435 = vector.broadcast %add3A_434 : i32 to vector<16xi32>
      %add3A_436 = arith.addi %iota3A_433, %add3A_435 : vector<16xi32>
      %mul3A_437 = arith.constant 200 : i32
      %mul3A_438 = vector.broadcast %mul3A_437 : i32 to vector<16xi32>
      %mul3A_439 = arith.muli %add3A_436, %mul3A_438 : vector<16xi32>
      %add3A_440 = vector.broadcast %add3A_403 : i32 to vector<16xi32>
      %add3A_441 = arith.addi %mul3A_439, %add3A_440 : vector<16xi32>
      %gather3A_442 = tpu.vector_load_idx %arg6[%add3A_441] : memref<25600xi32, #tpu.memory_space<vmem>>[vector<16xi32>], vector<16xi32>,
      %swap3A_443 = arith.constant 32 : index
      %swap3A_444 = tpu.vector_load %arg11[%swap3A_443] {strides = array<i32>} : memref<128xi32, #tpu.memory_space<vmem>>, vector<16xi32>,
      tpu.vector_store %arg11[%swap3A_443], %gather3A_442 {strides = array<i32>} : memref<128xi32, #tpu.memory_space<vmem>>, vector<16xi32>,
      %iota3A_445 = tpu.iota {dimensions = array<i32: 0>} : vector<16xi32>
      %add3A_446 = arith.constant 48 : i32
      %add3A_447 = vector.broadcast %add3A_446 : i32 to vector<16xi32>
      %add3A_448 = arith.addi %iota3A_445, %add3A_447 : vector<16xi32>
      %mul3A_449 = arith.constant 200 : i32
      %mul3A_450 = vector.broadcast %mul3A_449 : i32 to vector<16xi32>
      %mul3A_451 = arith.muli %add3A_448, %mul3A_450 : vector<16xi32>
      %add3A_452 = vector.broadcast %add3A_403 : i32 to vector<16xi32>
      %add3A_453 = arith.addi %mul3A_451, %add3A_452 : vector<16xi32>
      %gather3A_454 = tpu.vector_load_idx %arg6[%add3A_453] : memref<25600xi32, #tpu.memory_space<vmem>>[vector<16xi32>], vector<16xi32>,
      %swap3A_455 = arith.constant 48 : index
      %swap3A_456 = tpu.vector_load %arg11[%swap3A_455] {strides = array<i32>} : memref<128xi32, #tpu.memory_space<vmem>>, vector<16xi32>,
      tpu.vector_store %arg11[%swap3A_455], %gather3A_454 {strides = array<i32>} : memref<128xi32, #tpu.memory_space<vmem>>, vector<16xi32>,
      %iota3A_457 = tpu.iota {dimensions = array<i32: 0>} : vector<16xi32>
      %add3A_458 = arith.constant 64 : i32
      %add3A_459 = vector.broadcast %add3A_458 : i32 to vector<16xi32>
      %add3A_460 = arith.addi %iota3A_457, %add3A_459 : vector<16xi32>
      %mul3A_461 = arith.constant 200 : i32
      %mul3A_462 = vector.broadcast %mul3A_461 : i32 to vector<16xi32>
      %mul3A_463 = arith.muli %add3A_460, %mul3A_462 : vector<16xi32>
      %add3A_464 = vector.broadcast %add3A_403 : i32 to vector<16xi32>
      %add3A_465 = arith.addi %mul3A_463, %add3A_464 : vector<16xi32>
      %gather3A_466 = tpu.vector_load_idx %arg6[%add3A_465] : memref<25600xi32, #tpu.memory_space<vmem>>[vector<16xi32>], vector<16xi32>,
      %swap3A_467 = arith.constant 64 : index
      %swap3A_468 = tpu.vector_load %arg11[%swap3A_467] {strides = array<i32>} : memref<128xi32, #tpu.memory_space<vmem>>, vector<16xi32>,
      tpu.vector_store %arg11[%swap3A_467], %gather3A_466 {strides = array<i32>} : memref<128xi32, #tpu.memory_space<vmem>>, vector<16xi32>,
      %iota3A_469 = tpu.iota {dimensions = array<i32: 0>} : vector<16xi32>
      %add3A_470 = arith.constant 80 : i32
      %add3A_471 = vector.broadcast %add3A_470 : i32 to vector<16xi32>
      %add3A_472 = arith.addi %iota3A_469, %add3A_471 : vector<16xi32>
      %mul3A_473 = arith.constant 200 : i32
      %mul3A_474 = vector.broadcast %mul3A_473 : i32 to vector<16xi32>
      %mul3A_475 = arith.muli %add3A_472, %mul3A_474 : vector<16xi32>
      %add3A_476 = vector.broadcast %add3A_403 : i32 to vector<16xi32>
      %add3A_477 = arith.addi %mul3A_475, %add3A_476 : vector<16xi32>
      %gather3A_478 = tpu.vector_load_idx %arg6[%add3A_477] : memref<25600xi32, #tpu.memory_space<vmem>>[vector<16xi32>], vector<16xi32>,
      %swap3A_479 = arith.constant 80 : index
      %swap3A_480 = tpu.vector_load %arg11[%swap3A_479] {strides = array<i32>} : memref<128xi32, #tpu.memory_space<vmem>>, vector<16xi32>,
      tpu.vector_store %arg11[%swap3A_479], %gather3A_478 {strides = array<i32>} : memref<128xi32, #tpu.memory_space<vmem>>, vector<16xi32>,
      %iota3A_481 = tpu.iota {dimensions = array<i32: 0>} : vector<16xi32>
      %add3A_482 = arith.constant 96 : i32
      %add3A_483 = vector.broadcast %add3A_482 : i32 to vector<16xi32>
      %add3A_484 = arith.addi %iota3A_481, %add3A_483 : vector<16xi32>
      %mul3A_485 = arith.constant 200 : i32
      %mul3A_486 = vector.broadcast %mul3A_485 : i32 to vector<16xi32>
      %mul3A_487 = arith.muli %add3A_484, %mul3A_486 : vector<16xi32>
      %add3A_488 = vector.broadcast %add3A_403 : i32 to vector<16xi32>
      %add3A_489 = arith.addi %mul3A_487, %add3A_488 : vector<16xi32>
      %gather3A_490 = tpu.vector_load_idx %arg6[%add3A_489] : memref<25600xi32, #tpu.memory_space<vmem>>[vector<16xi32>], vector<16xi32>,
      %swap3A_491 = arith.constant 96 : index
      %swap3A_492 = tpu.vector_load %arg11[%swap3A_491] {strides = array<i32>} : memref<128xi32, #tpu.memory_space<vmem>>, vector<16xi32>,
      tpu.vector_store %arg11[%swap3A_491], %gather3A_490 {strides = array<i32>} : memref<128xi32, #tpu.memory_space<vmem>>, vector<16xi32>,
      %iota3A_493 = tpu.iota {dimensions = array<i32: 0>} : vector<16xi32>
      %add3A_494 = arith.constant 112 : i32
      %add3A_495 = vector.broadcast %add3A_494 : i32 to vector<16xi32>
      %add3A_496 = arith.addi %iota3A_493, %add3A_495 : vector<16xi32>
      %mul3A_497 = arith.constant 200 : i32
      %mul3A_498 = vector.broadcast %mul3A_497 : i32 to vector<16xi32>
      %mul3A_499 = arith.muli %add3A_496, %mul3A_498 : vector<16xi32>
      %add3A_500 = vector.broadcast %add3A_403 : i32 to vector<16xi32>
      %add3A_501 = arith.addi %mul3A_499, %add3A_500 : vector<16xi32>
      %gather3A_502 = tpu.vector_load_idx %arg6[%add3A_501] : memref<25600xi32, #tpu.memory_space<vmem>>[vector<16xi32>], vector<16xi32>,
      %swap3A_503 = arith.constant 112 : index
      %swap3A_504 = tpu.vector_load %arg11[%swap3A_503] {strides = array<i32>} : memref<128xi32, #tpu.memory_space<vmem>>, vector<16xi32>,
      tpu.vector_store %arg11[%swap3A_503], %gather3A_502 {strides = array<i32>} : memref<128xi32, #tpu.memory_space<vmem>>, vector<16xi32>,
      %dma_start3A_505 = arith.constant 0 : i32
      %dma_start3A_506 = arith.constant 0 : i32
      %dma_start3A_507 = tpu.memref_slice %arg16[%dma_start3A_505, %dma_start3A_506] : memref<128x128xf32, #tpu.memory_space<vmem>> -> memref<64x128xf32, #tpu.memory_space<vmem>>
      %dma_start3A_508 = arith.constant 0 : i32
      %dma_start3A_509 = tpu.memref_slice %arg11[%dma_start3A_508] : memref<128xi32, #tpu.memory_space<vmem>> -> memref<64xi32, #tpu.memory_space<vmem>>
      %dma_start3A_510 = arith.constant 0 : i32
      %dma_start3A_511 = arith.constant 0 : i32
      %dma_start3A_512 = tpu.memref_slice %arg3[%dma_start3A_510, %dma_start3A_511] : memref<100000x128xf32, #tpu.memory_space<hbm>> -> memref<100000x128xf32, #tpu.memory_space<hbm>>
      tpu.enqueue_indirect_dma source(%dma_start3A_512 : memref<100000x128xf32, #tpu.memory_space<hbm>>) target(%dma_start3A_507 : memref<64x128xf32, #tpu.memory_space<vmem>>) offsets(%dma_start3A_509 : memref<64xi32, #tpu.memory_space<vmem>>) semaphore(%arg21 : memref<!tpu.dma_semaphore, #tpu.memory_space<semaphore_mem>>)
      %dma_start3A_513 = arith.constant 64 : i32
      %dma_start3A_514 = arith.constant 0 : i32
      %dma_start3A_515 = tpu.memref_slice %arg16[%dma_start3A_513, %dma_start3A_514] : memref<128x128xf32, #tpu.memory_space<vmem>> -> memref<64x128xf32, #tpu.memory_space<vmem>>
      %dma_start3A_516 = arith.constant 64 : i32
      %dma_start3A_517 = tpu.memref_slice %arg11[%dma_start3A_516] : memref<128xi32, #tpu.memory_space<vmem>> -> memref<64xi32, #tpu.memory_space<vmem>>
      %dma_start3A_518 = arith.constant 0 : i32
      %dma_start3A_519 = arith.constant 0 : i32
      %dma_start3A_520 = tpu.memref_slice %arg3[%dma_start3A_518, %dma_start3A_519] : memref<100000x128xf32, #tpu.memory_space<hbm>> -> memref<100000x128xf32, #tpu.memory_space<hbm>>
      tpu.enqueue_indirect_dma source(%dma_start3A_520 : memref<100000x128xf32, #tpu.memory_space<hbm>>) target(%dma_start3A_515 : memref<64x128xf32, #tpu.memory_space<vmem>>) offsets(%dma_start3A_517 : memref<64xi32, #tpu.memory_space<vmem>>) semaphore(%arg26 : memref<!tpu.dma_semaphore, #tpu.memory_space<semaphore_mem>>)
      %mul3A_521 = arith.constant 5 : i32
      %mul3A_522 = arith.muli %scan3A_43, %mul3A_521 : i32
      %add3A_523 = arith.constant 4 : i32
      %add3A_524 = arith.addi %mul3A_522, %add3A_523 : i32
      %gt3A_525 = arith.constant 0 : i32
      %gt3A_526 = arith.cmpi sgt, %scan3A_43, %gt3A_525 : i32
      %convert_element_type3A_527 = arith.extui %gt3A_526 : i1 to i32
      %cond3A_528 = arith.constant 0 : i32
      %cond3A_529 = arith.cmpi ne, %convert_element_type3A_527, %cond3A_528 : i32
      scf.if %cond3A_529 {
        %mul3A_1344 = arith.constant 4096 : i32
        %mul3A_1345 = arith.muli %add3A_524, %mul3A_1344 : i32
        %add3A_1346 = arith.addi %mul3A_1345, %mul3A_4 : i32
        %dma_wait3A_1347 = arith.constant 0 : i32
        %dma_wait3A_1348 = tpu.memref_slice %arg4[%add3A_1346, %dma_wait3A_1347] : memref<819200x128xf32, #tpu.memory_space<hbm>> -> memref<128x128xf32, #tpu.memory_space<hbm>>
        %dma_wait3A_1349 = arith.constant 0 : i32
        %dma_wait3A_1350 = tpu.memref_slice %arg4[%add3A_1346, %dma_wait3A_1349] : memref<819200x128xf32, #tpu.memory_space<hbm>> -> memref<128x128xf32, #tpu.memory_space<hbm>>
        tpu.wait_dma2 semaphore(%arg32 : memref<!tpu.dma_semaphore, #tpu.memory_space<semaphore_mem>>) src(%arg17 : memref<128x128xf32, #tpu.memory_space<vmem>>) dst(%dma_wait3A_1350 : memref<128x128xf32, #tpu.memory_space<hbm>>)
      } else {
      }
      %iota3A_530 = tpu.iota {dimensions = array<i32: 0>} : vector<16xi32>
      %add3A_531 = arith.constant 0 : i32
      %add3A_532 = vector.broadcast %add3A_531 : i32 to vector<16xi32>
      %add3A_533 = arith.addi %iota3A_530, %add3A_532 : vector<16xi32>
      %mul3A_534 = arith.constant 200 : i32
      %mul3A_535 = vector.broadcast %mul3A_534 : i32 to vector<16xi32>
      %mul3A_536 = arith.muli %add3A_533, %mul3A_535 : vector<16xi32>
      %add3A_537 = vector.broadcast %add3A_524 : i32 to vector<16xi32>
      %add3A_538 = arith.addi %mul3A_536, %add3A_537 : vector<16xi32>
      %gather3A_539 = tpu.vector_load_idx %arg6[%add3A_538] : memref<25600xi32, #tpu.memory_space<vmem>>[vector<16xi32>], vector<16xi32>,
      %swap3A_540 = arith.constant 0 : index
      %swap3A_541 = tpu.vector_load %arg12[%swap3A_540] {strides = array<i32>} : memref<128xi32, #tpu.memory_space<vmem>>, vector<16xi32>,
      tpu.vector_store %arg12[%swap3A_540], %gather3A_539 {strides = array<i32>} : memref<128xi32, #tpu.memory_space<vmem>>, vector<16xi32>,
      %iota3A_542 = tpu.iota {dimensions = array<i32: 0>} : vector<16xi32>
      %add3A_543 = arith.constant 16 : i32
      %add3A_544 = vector.broadcast %add3A_543 : i32 to vector<16xi32>
      %add3A_545 = arith.addi %iota3A_542, %add3A_544 : vector<16xi32>
      %mul3A_546 = arith.constant 200 : i32
      %mul3A_547 = vector.broadcast %mul3A_546 : i32 to vector<16xi32>
      %mul3A_548 = arith.muli %add3A_545, %mul3A_547 : vector<16xi32>
      %add3A_549 = vector.broadcast %add3A_524 : i32 to vector<16xi32>
      %add3A_550 = arith.addi %mul3A_548, %add3A_549 : vector<16xi32>
      %gather3A_551 = tpu.vector_load_idx %arg6[%add3A_550] : memref<25600xi32, #tpu.memory_space<vmem>>[vector<16xi32>], vector<16xi32>,
      %swap3A_552 = arith.constant 16 : index
      %swap3A_553 = tpu.vector_load %arg12[%swap3A_552] {strides = array<i32>} : memref<128xi32, #tpu.memory_space<vmem>>, vector<16xi32>,
      tpu.vector_store %arg12[%swap3A_552], %gather3A_551 {strides = array<i32>} : memref<128xi32, #tpu.memory_space<vmem>>, vector<16xi32>,
      %iota3A_554 = tpu.iota {dimensions = array<i32: 0>} : vector<16xi32>
      %add3A_555 = arith.constant 32 : i32
      %add3A_556 = vector.broadcast %add3A_555 : i32 to vector<16xi32>
      %add3A_557 = arith.addi %iota3A_554, %add3A_556 : vector<16xi32>
      %mul3A_558 = arith.constant 200 : i32
      %mul3A_559 = vector.broadcast %mul3A_558 : i32 to vector<16xi32>
      %mul3A_560 = arith.muli %add3A_557, %mul3A_559 : vector<16xi32>
      %add3A_561 = vector.broadcast %add3A_524 : i32 to vector<16xi32>
      %add3A_562 = arith.addi %mul3A_560, %add3A_561 : vector<16xi32>
      %gather3A_563 = tpu.vector_load_idx %arg6[%add3A_562] : memref<25600xi32, #tpu.memory_space<vmem>>[vector<16xi32>], vector<16xi32>,
      %swap3A_564 = arith.constant 32 : index
      %swap3A_565 = tpu.vector_load %arg12[%swap3A_564] {strides = array<i32>} : memref<128xi32, #tpu.memory_space<vmem>>, vector<16xi32>,
      tpu.vector_store %arg12[%swap3A_564], %gather3A_563 {strides = array<i32>} : memref<128xi32, #tpu.memory_space<vmem>>, vector<16xi32>,
      %iota3A_566 = tpu.iota {dimensions = array<i32: 0>} : vector<16xi32>
      %add3A_567 = arith.constant 48 : i32
      %add3A_568 = vector.broadcast %add3A_567 : i32 to vector<16xi32>
      %add3A_569 = arith.addi %iota3A_566, %add3A_568 : vector<16xi32>
      %mul3A_570 = arith.constant 200 : i32
      %mul3A_571 = vector.broadcast %mul3A_570 : i32 to vector<16xi32>
      %mul3A_572 = arith.muli %add3A_569, %mul3A_571 : vector<16xi32>
      %add3A_573 = vector.broadcast %add3A_524 : i32 to vector<16xi32>
      %add3A_574 = arith.addi %mul3A_572, %add3A_573 : vector<16xi32>
      %gather3A_575 = tpu.vector_load_idx %arg6[%add3A_574] : memref<25600xi32, #tpu.memory_space<vmem>>[vector<16xi32>], vector<16xi32>,
      %swap3A_576 = arith.constant 48 : index
      %swap3A_577 = tpu.vector_load %arg12[%swap3A_576] {strides = array<i32>} : memref<128xi32, #tpu.memory_space<vmem>>, vector<16xi32>,
      tpu.vector_store %arg12[%swap3A_576], %gather3A_575 {strides = array<i32>} : memref<128xi32, #tpu.memory_space<vmem>>, vector<16xi32>,
      %iota3A_578 = tpu.iota {dimensions = array<i32: 0>} : vector<16xi32>
      %add3A_579 = arith.constant 64 : i32
      %add3A_580 = vector.broadcast %add3A_579 : i32 to vector<16xi32>
      %add3A_581 = arith.addi %iota3A_578, %add3A_580 : vector<16xi32>
      %mul3A_582 = arith.constant 200 : i32
      %mul3A_583 = vector.broadcast %mul3A_582 : i32 to vector<16xi32>
      %mul3A_584 = arith.muli %add3A_581, %mul3A_583 : vector<16xi32>
      %add3A_585 = vector.broadcast %add3A_524 : i32 to vector<16xi32>
      %add3A_586 = arith.addi %mul3A_584, %add3A_585 : vector<16xi32>
      %gather3A_587 = tpu.vector_load_idx %arg6[%add3A_586] : memref<25600xi32, #tpu.memory_space<vmem>>[vector<16xi32>], vector<16xi32>,
      %swap3A_588 = arith.constant 64 : index
      %swap3A_589 = tpu.vector_load %arg12[%swap3A_588] {strides = array<i32>} : memref<128xi32, #tpu.memory_space<vmem>>, vector<16xi32>,
      tpu.vector_store %arg12[%swap3A_588], %gather3A_587 {strides = array<i32>} : memref<128xi32, #tpu.memory_space<vmem>>, vector<16xi32>,
      %iota3A_590 = tpu.iota {dimensions = array<i32: 0>} : vector<16xi32>
      %add3A_591 = arith.constant 80 : i32
      %add3A_592 = vector.broadcast %add3A_591 : i32 to vector<16xi32>
      %add3A_593 = arith.addi %iota3A_590, %add3A_592 : vector<16xi32>
      %mul3A_594 = arith.constant 200 : i32
      %mul3A_595 = vector.broadcast %mul3A_594 : i32 to vector<16xi32>
      %mul3A_596 = arith.muli %add3A_593, %mul3A_595 : vector<16xi32>
      %add3A_597 = vector.broadcast %add3A_524 : i32 to vector<16xi32>
      %add3A_598 = arith.addi %mul3A_596, %add3A_597 : vector<16xi32>
      %gather3A_599 = tpu.vector_load_idx %arg6[%add3A_598] : memref<25600xi32, #tpu.memory_space<vmem>>[vector<16xi32>], vector<16xi32>,
      %swap3A_600 = arith.constant 80 : index
      %swap3A_601 = tpu.vector_load %arg12[%swap3A_600] {strides = array<i32>} : memref<128xi32, #tpu.memory_space<vmem>>, vector<16xi32>,
      tpu.vector_store %arg12[%swap3A_600], %gather3A_599 {strides = array<i32>} : memref<128xi32, #tpu.memory_space<vmem>>, vector<16xi32>,
      %iota3A_602 = tpu.iota {dimensions = array<i32: 0>} : vector<16xi32>
      %add3A_603 = arith.constant 96 : i32
      %add3A_604 = vector.broadcast %add3A_603 : i32 to vector<16xi32>
      %add3A_605 = arith.addi %iota3A_602, %add3A_604 : vector<16xi32>
      %mul3A_606 = arith.constant 200 : i32
      %mul3A_607 = vector.broadcast %mul3A_606 : i32 to vector<16xi32>
      %mul3A_608 = arith.muli %add3A_605, %mul3A_607 : vector<16xi32>
      %add3A_609 = vector.broadcast %add3A_524 : i32 to vector<16xi32>
      %add3A_610 = arith.addi %mul3A_608, %add3A_609 : vector<16xi32>
      %gather3A_611 = tpu.vector_load_idx %arg6[%add3A_610] : memref<25600xi32, #tpu.memory_space<vmem>>[vector<16xi32>], vector<16xi32>,
      %swap3A_612 = arith.constant 96 : index
      %swap3A_613 = tpu.vector_load %arg12[%swap3A_612] {strides = array<i32>} : memref<128xi32, #tpu.memory_space<vmem>>, vector<16xi32>,
      tpu.vector_store %arg12[%swap3A_612], %gather3A_611 {strides = array<i32>} : memref<128xi32, #tpu.memory_space<vmem>>, vector<16xi32>,
      %iota3A_614 = tpu.iota {dimensions = array<i32: 0>} : vector<16xi32>
      %add3A_615 = arith.constant 112 : i32
      %add3A_616 = vector.broadcast %add3A_615 : i32 to vector<16xi32>
      %add3A_617 = arith.addi %iota3A_614, %add3A_616 : vector<16xi32>
      %mul3A_618 = arith.constant 200 : i32
      %mul3A_619 = vector.broadcast %mul3A_618 : i32 to vector<16xi32>
      %mul3A_620 = arith.muli %add3A_617, %mul3A_619 : vector<16xi32>
      %add3A_621 = vector.broadcast %add3A_524 : i32 to vector<16xi32>
      %add3A_622 = arith.addi %mul3A_620, %add3A_621 : vector<16xi32>
      %gather3A_623 = tpu.vector_load_idx %arg6[%add3A_622] : memref<25600xi32, #tpu.memory_space<vmem>>[vector<16xi32>], vector<16xi32>,
      %swap3A_624 = arith.constant 112 : index
      %swap3A_625 = tpu.vector_load %arg12[%swap3A_624] {strides = array<i32>} : memref<128xi32, #tpu.memory_space<vmem>>, vector<16xi32>,
      tpu.vector_store %arg12[%swap3A_624], %gather3A_623 {strides = array<i32>} : memref<128xi32, #tpu.memory_space<vmem>>, vector<16xi32>,
      %dma_start3A_626 = arith.constant 0 : i32
      %dma_start3A_627 = arith.constant 0 : i32
      %dma_start3A_628 = tpu.memref_slice %arg17[%dma_start3A_626, %dma_start3A_627] : memref<128x128xf32, #tpu.memory_space<vmem>> -> memref<64x128xf32, #tpu.memory_space<vmem>>
      %dma_start3A_629 = arith.constant 0 : i32
      %dma_start3A_630 = tpu.memref_slice %arg12[%dma_start3A_629] : memref<128xi32, #tpu.memory_space<vmem>> -> memref<64xi32, #tpu.memory_space<vmem>>
      %dma_start3A_631 = arith.constant 0 : i32
      %dma_start3A_632 = arith.constant 0 : i32
      %dma_start3A_633 = tpu.memref_slice %arg3[%dma_start3A_631, %dma_start3A_632] : memref<100000x128xf32, #tpu.memory_space<hbm>> -> memref<100000x128xf32, #tpu.memory_space<hbm>>
      tpu.enqueue_indirect_dma source(%dma_start3A_633 : memref<100000x128xf32, #tpu.memory_space<hbm>>) target(%dma_start3A_628 : memref<64x128xf32, #tpu.memory_space<vmem>>) offsets(%dma_start3A_630 : memref<64xi32, #tpu.memory_space<vmem>>) semaphore(%arg22 : memref<!tpu.dma_semaphore, #tpu.memory_space<semaphore_mem>>)
      %dma_start3A_634 = arith.constant 64 : i32
      %dma_start3A_635 = arith.constant 0 : i32
      %dma_start3A_636 = tpu.memref_slice %arg17[%dma_start3A_634, %dma_start3A_635] : memref<128x128xf32, #tpu.memory_space<vmem>> -> memref<64x128xf32, #tpu.memory_space<vmem>>
      %dma_start3A_637 = arith.constant 64 : i32
      %dma_start3A_638 = tpu.memref_slice %arg12[%dma_start3A_637] : memref<128xi32, #tpu.memory_space<vmem>> -> memref<64xi32, #tpu.memory_space<vmem>>
      %dma_start3A_639 = arith.constant 0 : i32
      %dma_start3A_640 = arith.constant 0 : i32
      %dma_start3A_641 = tpu.memref_slice %arg3[%dma_start3A_639, %dma_start3A_640] : memref<100000x128xf32, #tpu.memory_space<hbm>> -> memref<100000x128xf32, #tpu.memory_space<hbm>>
      tpu.enqueue_indirect_dma source(%dma_start3A_641 : memref<100000x128xf32, #tpu.memory_space<hbm>>) target(%dma_start3A_636 : memref<64x128xf32, #tpu.memory_space<vmem>>) offsets(%dma_start3A_638 : memref<64xi32, #tpu.memory_space<vmem>>) semaphore(%arg27 : memref<!tpu.dma_semaphore, #tpu.memory_space<semaphore_mem>>)
      %gt3A_642 = arith.constant 0 : i32
      %gt3A_643 = arith.cmpi sgt, %scan3A_43, %gt3A_642 : i32
      %convert_element_type3A_644 = arith.extui %gt3A_643 : i1 to i32
      %cond3A_645 = arith.constant 0 : i32
      %cond3A_646 = arith.cmpi ne, %convert_element_type3A_644, %cond3A_645 : i32
      scf.if %cond3A_646 {
        %mul3A_1344 = arith.constant 640 : i32
        %mul3A_1345 = arith.muli %scan3A_43, %mul3A_1344 : i32
        %add3A_1346 = arith.addi %mul3A_2, %mul3A_1345 : i32
        %dma_wait3A_1347 = tpu.memref_slice %arg5[%add3A_1346] : memref<819200xf32, #tpu.memory_space<hbm>> -> memref<640xf32, #tpu.memory_space<hbm>>
        %dma_wait3A_1348 = tpu.memref_slice %arg5[%add3A_1346] : memref<819200xf32, #tpu.memory_space<hbm>> -> memref<640xf32, #tpu.memory_space<hbm>>
        tpu.wait_dma2 semaphore(%arg33 : memref<!tpu.dma_semaphore, #tpu.memory_space<semaphore_mem>>) src(%arg7 : memref<640xf32, #tpu.memory_space<vmem>>) dst(%dma_wait3A_1348 : memref<640xf32, #tpu.memory_space<hbm>>)
      } else {
      }
      %mul3A_647 = arith.constant 640 : i32
      %mul3A_648 = arith.muli %scan3A_43, %mul3A_647 : i32
      %add3A_649 = arith.constant 0 : i32
      %add3A_650 = arith.addi %mul3A_648, %add3A_649 : i32
      %get3A = arith.index_cast %add3A_650 : i32 to index
      %get3A_651 = tpu.vector_load %arg6[%get3A] {strides = array<i32>} : memref<25600xi32, #tpu.memory_space<vmem>>, vector<16xi32>,
      %ne3A = arith.constant 0 : i32
      %ne3A_652 = vector.broadcast %ne3A : i32 to vector<16xi32>
      %ne3A_653 = arith.cmpi ne, %get3A_651, %ne3A_652 : vector<16xi32>
      %jit3A = arith.constant 1.000000e+00 : f32
      %jit3A_654 = arith.constant 0.000000e+00 : f32
      %broadcast_in_dim3A = vector.broadcast %jit3A : f32 to vector<16xf32>
      %broadcast_in_dim3A_655 = vector.broadcast %jit3A_654 : f32 to vector<16xf32>
      %select_n3A = arith.select %ne3A_653, %broadcast_in_dim3A, %broadcast_in_dim3A_655 : vector<16xi1>, vector<16xf32>
      %swap3A_656 = arith.constant 0 : index
      %swap3A_657 = tpu.vector_load %arg7[%swap3A_656] {strides = array<i32>} : memref<640xf32, #tpu.memory_space<vmem>>, vector<16xf32>,
      tpu.vector_store %arg7[%swap3A_656], %select_n3A {strides = array<i32>} : memref<640xf32, #tpu.memory_space<vmem>>, vector<16xf32>,
      %add3A_658 = arith.constant 16 : i32
      %add3A_659 = arith.addi %mul3A_648, %add3A_658 : i32
      %get3A_660 = arith.index_cast %add3A_659 : i32 to index
      %get3A_661 = tpu.vector_load %arg6[%get3A_660] {strides = array<i32>} : memref<25600xi32, #tpu.memory_space<vmem>>, vector<16xi32>,
      %ne3A_662 = arith.constant 0 : i32
      %ne3A_663 = vector.broadcast %ne3A_662 : i32 to vector<16xi32>
      %ne3A_664 = arith.cmpi ne, %get3A_661, %ne3A_663 : vector<16xi32>
      %jit3A_665 = arith.constant 1.000000e+00 : f32
      %jit3A_666 = arith.constant 0.000000e+00 : f32
      %broadcast_in_dim3A_667 = vector.broadcast %jit3A_665 : f32 to vector<16xf32>
      %broadcast_in_dim3A_668 = vector.broadcast %jit3A_666 : f32 to vector<16xf32>
      %select_n3A_669 = arith.select %ne3A_664, %broadcast_in_dim3A_667, %broadcast_in_dim3A_668 : vector<16xi1>, vector<16xf32>
      %swap3A_670 = arith.constant 16 : index
      %swap3A_671 = tpu.vector_load %arg7[%swap3A_670] {strides = array<i32>} : memref<640xf32, #tpu.memory_space<vmem>>, vector<16xf32>,
      tpu.vector_store %arg7[%swap3A_670], %select_n3A_669 {strides = array<i32>} : memref<640xf32, #tpu.memory_space<vmem>>, vector<16xf32>,
      %add3A_672 = arith.constant 32 : i32
      %add3A_673 = arith.addi %mul3A_648, %add3A_672 : i32
      %get3A_674 = arith.index_cast %add3A_673 : i32 to index
      %get3A_675 = tpu.vector_load %arg6[%get3A_674] {strides = array<i32>} : memref<25600xi32, #tpu.memory_space<vmem>>, vector<16xi32>,
      %ne3A_676 = arith.constant 0 : i32
      %ne3A_677 = vector.broadcast %ne3A_676 : i32 to vector<16xi32>
      %ne3A_678 = arith.cmpi ne, %get3A_675, %ne3A_677 : vector<16xi32>
      %jit3A_679 = arith.constant 1.000000e+00 : f32
      %jit3A_680 = arith.constant 0.000000e+00 : f32
      %broadcast_in_dim3A_681 = vector.broadcast %jit3A_679 : f32 to vector<16xf32>
      %broadcast_in_dim3A_682 = vector.broadcast %jit3A_680 : f32 to vector<16xf32>
      %select_n3A_683 = arith.select %ne3A_678, %broadcast_in_dim3A_681, %broadcast_in_dim3A_682 : vector<16xi1>, vector<16xf32>
      %swap3A_684 = arith.constant 32 : index
      %swap3A_685 = tpu.vector_load %arg7[%swap3A_684] {strides = array<i32>} : memref<640xf32, #tpu.memory_space<vmem>>, vector<16xf32>,
      tpu.vector_store %arg7[%swap3A_684], %select_n3A_683 {strides = array<i32>} : memref<640xf32, #tpu.memory_space<vmem>>, vector<16xf32>,
      %add3A_686 = arith.constant 48 : i32
      %add3A_687 = arith.addi %mul3A_648, %add3A_686 : i32
      %get3A_688 = arith.index_cast %add3A_687 : i32 to index
      %get3A_689 = tpu.vector_load %arg6[%get3A_688] {strides = array<i32>} : memref<25600xi32, #tpu.memory_space<vmem>>, vector<16xi32>,
      %ne3A_690 = arith.constant 0 : i32
      %ne3A_691 = vector.broadcast %ne3A_690 : i32 to vector<16xi32>
      %ne3A_692 = arith.cmpi ne, %get3A_689, %ne3A_691 : vector<16xi32>
      %jit3A_693 = arith.constant 1.000000e+00 : f32
      %jit3A_694 = arith.constant 0.000000e+00 : f32
      %broadcast_in_dim3A_695 = vector.broadcast %jit3A_693 : f32 to vector<16xf32>
      %broadcast_in_dim3A_696 = vector.broadcast %jit3A_694 : f32 to vector<16xf32>
      %select_n3A_697 = arith.select %ne3A_692, %broadcast_in_dim3A_695, %broadcast_in_dim3A_696 : vector<16xi1>, vector<16xf32>
      %swap3A_698 = arith.constant 48 : index
      %swap3A_699 = tpu.vector_load %arg7[%swap3A_698] {strides = array<i32>} : memref<640xf32, #tpu.memory_space<vmem>>, vector<16xf32>,
      tpu.vector_store %arg7[%swap3A_698], %select_n3A_697 {strides = array<i32>} : memref<640xf32, #tpu.memory_space<vmem>>, vector<16xf32>,
      %add3A_700 = arith.constant 64 : i32
      %add3A_701 = arith.addi %mul3A_648, %add3A_700 : i32
      %get3A_702 = arith.index_cast %add3A_701 : i32 to index
      %get3A_703 = tpu.vector_load %arg6[%get3A_702] {strides = array<i32>} : memref<25600xi32, #tpu.memory_space<vmem>>, vector<16xi32>,
      %ne3A_704 = arith.constant 0 : i32
      %ne3A_705 = vector.broadcast %ne3A_704 : i32 to vector<16xi32>
      %ne3A_706 = arith.cmpi ne, %get3A_703, %ne3A_705 : vector<16xi32>
      %jit3A_707 = arith.constant 1.000000e+00 : f32
      %jit3A_708 = arith.constant 0.000000e+00 : f32
      %broadcast_in_dim3A_709 = vector.broadcast %jit3A_707 : f32 to vector<16xf32>
      %broadcast_in_dim3A_710 = vector.broadcast %jit3A_708 : f32 to vector<16xf32>
      %select_n3A_711 = arith.select %ne3A_706, %broadcast_in_dim3A_709, %broadcast_in_dim3A_710 : vector<16xi1>, vector<16xf32>
      %swap3A_712 = arith.constant 64 : index
      %swap3A_713 = tpu.vector_load %arg7[%swap3A_712] {strides = array<i32>} : memref<640xf32, #tpu.memory_space<vmem>>, vector<16xf32>,
      tpu.vector_store %arg7[%swap3A_712], %select_n3A_711 {strides = array<i32>} : memref<640xf32, #tpu.memory_space<vmem>>, vector<16xf32>,
      %add3A_714 = arith.constant 80 : i32
      %add3A_715 = arith.addi %mul3A_648, %add3A_714 : i32
      %get3A_716 = arith.index_cast %add3A_715 : i32 to index
      %get3A_717 = tpu.vector_load %arg6[%get3A_716] {strides = array<i32>} : memref<25600xi32, #tpu.memory_space<vmem>>, vector<16xi32>,
      %ne3A_718 = arith.constant 0 : i32
      %ne3A_719 = vector.broadcast %ne3A_718 : i32 to vector<16xi32>
      %ne3A_720 = arith.cmpi ne, %get3A_717, %ne3A_719 : vector<16xi32>
      %jit3A_721 = arith.constant 1.000000e+00 : f32
      %jit3A_722 = arith.constant 0.000000e+00 : f32
      %broadcast_in_dim3A_723 = vector.broadcast %jit3A_721 : f32 to vector<16xf32>
      %broadcast_in_dim3A_724 = vector.broadcast %jit3A_722 : f32 to vector<16xf32>
      %select_n3A_725 = arith.select %ne3A_720, %broadcast_in_dim3A_723, %broadcast_in_dim3A_724 : vector<16xi1>, vector<16xf32>
      %swap3A_726 = arith.constant 80 : index
      %swap3A_727 = tpu.vector_load %arg7[%swap3A_726] {strides = array<i32>} : memref<640xf32, #tpu.memory_space<vmem>>, vector<16xf32>,
      tpu.vector_store %arg7[%swap3A_726], %select_n3A_725 {strides = array<i32>} : memref<640xf32, #tpu.memory_space<vmem>>, vector<16xf32>,
      %add3A_728 = arith.constant 96 : i32
      %add3A_729 = arith.addi %mul3A_648, %add3A_728 : i32
      %get3A_730 = arith.index_cast %add3A_729 : i32 to index
      %get3A_731 = tpu.vector_load %arg6[%get3A_730] {strides = array<i32>} : memref<25600xi32, #tpu.memory_space<vmem>>, vector<16xi32>,
      %ne3A_732 = arith.constant 0 : i32
      %ne3A_733 = vector.broadcast %ne3A_732 : i32 to vector<16xi32>
      %ne3A_734 = arith.cmpi ne, %get3A_731, %ne3A_733 : vector<16xi32>
      %jit3A_735 = arith.constant 1.000000e+00 : f32
      %jit3A_736 = arith.constant 0.000000e+00 : f32
      %broadcast_in_dim3A_737 = vector.broadcast %jit3A_735 : f32 to vector<16xf32>
      %broadcast_in_dim3A_738 = vector.broadcast %jit3A_736 : f32 to vector<16xf32>
      %select_n3A_739 = arith.select %ne3A_734, %broadcast_in_dim3A_737, %broadcast_in_dim3A_738 : vector<16xi1>, vector<16xf32>
      %swap3A_740 = arith.constant 96 : index
      %swap3A_741 = tpu.vector_load %arg7[%swap3A_740] {strides = array<i32>} : memref<640xf32, #tpu.memory_space<vmem>>, vector<16xf32>,
      tpu.vector_store %arg7[%swap3A_740], %select_n3A_739 {strides = array<i32>} : memref<640xf32, #tpu.memory_space<vmem>>, vector<16xf32>,
      %add3A_742 = arith.constant 112 : i32
      %add3A_743 = arith.addi %mul3A_648, %add3A_742 : i32
      %get3A_744 = arith.index_cast %add3A_743 : i32 to index
      %get3A_745 = tpu.vector_load %arg6[%get3A_744] {strides = array<i32>} : memref<25600xi32, #tpu.memory_space<vmem>>, vector<16xi32>,
      %ne3A_746 = arith.constant 0 : i32
      %ne3A_747 = vector.broadcast %ne3A_746 : i32 to vector<16xi32>
      %ne3A_748 = arith.cmpi ne, %get3A_745, %ne3A_747 : vector<16xi32>
      %jit3A_749 = arith.constant 1.000000e+00 : f32
      %jit3A_750 = arith.constant 0.000000e+00 : f32
      %broadcast_in_dim3A_751 = vector.broadcast %jit3A_749 : f32 to vector<16xf32>
      %broadcast_in_dim3A_752 = vector.broadcast %jit3A_750 : f32 to vector<16xf32>
      %select_n3A_753 = arith.select %ne3A_748, %broadcast_in_dim3A_751, %broadcast_in_dim3A_752 : vector<16xi1>, vector<16xf32>
      %swap3A_754 = arith.constant 112 : index
      %swap3A_755 = tpu.vector_load %arg7[%swap3A_754] {strides = array<i32>} : memref<640xf32, #tpu.memory_space<vmem>>, vector<16xf32>,
      tpu.vector_store %arg7[%swap3A_754], %select_n3A_753 {strides = array<i32>} : memref<640xf32, #tpu.memory_space<vmem>>, vector<16xf32>,
      %add3A_756 = arith.constant 128 : i32
      %add3A_757 = arith.addi %mul3A_648, %add3A_756 : i32
      %get3A_758 = arith.index_cast %add3A_757 : i32 to index
      %get3A_759 = tpu.vector_load %arg6[%get3A_758] {strides = array<i32>} : memref<25600xi32, #tpu.memory_space<vmem>>, vector<16xi32>,
      %ne3A_760 = arith.constant 0 : i32
      %ne3A_761 = vector.broadcast %ne3A_760 : i32 to vector<16xi32>
      %ne3A_762 = arith.cmpi ne, %get3A_759, %ne3A_761 : vector<16xi32>
      %jit3A_763 = arith.constant 1.000000e+00 : f32
      %jit3A_764 = arith.constant 0.000000e+00 : f32
      %broadcast_in_dim3A_765 = vector.broadcast %jit3A_763 : f32 to vector<16xf32>
      %broadcast_in_dim3A_766 = vector.broadcast %jit3A_764 : f32 to vector<16xf32>
      %select_n3A_767 = arith.select %ne3A_762, %broadcast_in_dim3A_765, %broadcast_in_dim3A_766 : vector<16xi1>, vector<16xf32>
      %swap3A_768 = arith.constant 128 : index
      %swap3A_769 = tpu.vector_load %arg7[%swap3A_768] {strides = array<i32>} : memref<640xf32, #tpu.memory_space<vmem>>, vector<16xf32>,
      tpu.vector_store %arg7[%swap3A_768], %select_n3A_767 {strides = array<i32>} : memref<640xf32, #tpu.memory_space<vmem>>, vector<16xf32>,
      %add3A_770 = arith.constant 144 : i32
      %add3A_771 = arith.addi %mul3A_648, %add3A_770 : i32
      %get3A_772 = arith.index_cast %add3A_771 : i32 to index
      %get3A_773 = tpu.vector_load %arg6[%get3A_772] {strides = array<i32>} : memref<25600xi32, #tpu.memory_space<vmem>>, vector<16xi32>,
      %ne3A_774 = arith.constant 0 : i32
      %ne3A_775 = vector.broadcast %ne3A_774 : i32 to vector<16xi32>
      %ne3A_776 = arith.cmpi ne, %get3A_773, %ne3A_775 : vector<16xi32>
      %jit3A_777 = arith.constant 1.000000e+00 : f32
      %jit3A_778 = arith.constant 0.000000e+00 : f32
      %broadcast_in_dim3A_779 = vector.broadcast %jit3A_777 : f32 to vector<16xf32>
      %broadcast_in_dim3A_780 = vector.broadcast %jit3A_778 : f32 to vector<16xf32>
      %select_n3A_781 = arith.select %ne3A_776, %broadcast_in_dim3A_779, %broadcast_in_dim3A_780 : vector<16xi1>, vector<16xf32>
      %swap3A_782 = arith.constant 144 : index
      %swap3A_783 = tpu.vector_load %arg7[%swap3A_782] {strides = array<i32>} : memref<640xf32, #tpu.memory_space<vmem>>, vector<16xf32>,
      tpu.vector_store %arg7[%swap3A_782], %select_n3A_781 {strides = array<i32>} : memref<640xf32, #tpu.memory_space<vmem>>, vector<16xf32>,
      %add3A_784 = arith.constant 160 : i32
      %add3A_785 = arith.addi %mul3A_648, %add3A_784 : i32
      %get3A_786 = arith.index_cast %add3A_785 : i32 to index
      %get3A_787 = tpu.vector_load %arg6[%get3A_786] {strides = array<i32>} : memref<25600xi32, #tpu.memory_space<vmem>>, vector<16xi32>,
      %ne3A_788 = arith.constant 0 : i32
      %ne3A_789 = vector.broadcast %ne3A_788 : i32 to vector<16xi32>
      %ne3A_790 = arith.cmpi ne, %get3A_787, %ne3A_789 : vector<16xi32>
      %jit3A_791 = arith.constant 1.000000e+00 : f32
      %jit3A_792 = arith.constant 0.000000e+00 : f32
      %broadcast_in_dim3A_793 = vector.broadcast %jit3A_791 : f32 to vector<16xf32>
      %broadcast_in_dim3A_794 = vector.broadcast %jit3A_792 : f32 to vector<16xf32>
      %select_n3A_795 = arith.select %ne3A_790, %broadcast_in_dim3A_793, %broadcast_in_dim3A_794 : vector<16xi1>, vector<16xf32>
      %swap3A_796 = arith.constant 160 : index
      %swap3A_797 = tpu.vector_load %arg7[%swap3A_796] {strides = array<i32>} : memref<640xf32, #tpu.memory_space<vmem>>, vector<16xf32>,
      tpu.vector_store %arg7[%swap3A_796], %select_n3A_795 {strides = array<i32>} : memref<640xf32, #tpu.memory_space<vmem>>, vector<16xf32>,
      %add3A_798 = arith.constant 176 : i32
      %add3A_799 = arith.addi %mul3A_648, %add3A_798 : i32
      %get3A_800 = arith.index_cast %add3A_799 : i32 to index
      %get3A_801 = tpu.vector_load %arg6[%get3A_800] {strides = array<i32>} : memref<25600xi32, #tpu.memory_space<vmem>>, vector<16xi32>,
      %ne3A_802 = arith.constant 0 : i32
      %ne3A_803 = vector.broadcast %ne3A_802 : i32 to vector<16xi32>
      %ne3A_804 = arith.cmpi ne, %get3A_801, %ne3A_803 : vector<16xi32>
      %jit3A_805 = arith.constant 1.000000e+00 : f32
      %jit3A_806 = arith.constant 0.000000e+00 : f32
      %broadcast_in_dim3A_807 = vector.broadcast %jit3A_805 : f32 to vector<16xf32>
      %broadcast_in_dim3A_808 = vector.broadcast %jit3A_806 : f32 to vector<16xf32>
      %select_n3A_809 = arith.select %ne3A_804, %broadcast_in_dim3A_807, %broadcast_in_dim3A_808 : vector<16xi1>, vector<16xf32>
      %swap3A_810 = arith.constant 176 : index
      %swap3A_811 = tpu.vector_load %arg7[%swap3A_810] {strides = array<i32>} : memref<640xf32, #tpu.memory_space<vmem>>, vector<16xf32>,
      tpu.vector_store %arg7[%swap3A_810], %select_n3A_809 {strides = array<i32>} : memref<640xf32, #tpu.memory_space<vmem>>, vector<16xf32>,
      %add3A_812 = arith.constant 192 : i32
      %add3A_813 = arith.addi %mul3A_648, %add3A_812 : i32
      %get3A_814 = arith.index_cast %add3A_813 : i32 to index
      %get3A_815 = tpu.vector_load %arg6[%get3A_814] {strides = array<i32>} : memref<25600xi32, #tpu.memory_space<vmem>>, vector<16xi32>,
      %ne3A_816 = arith.constant 0 : i32
      %ne3A_817 = vector.broadcast %ne3A_816 : i32 to vector<16xi32>
      %ne3A_818 = arith.cmpi ne, %get3A_815, %ne3A_817 : vector<16xi32>
      %jit3A_819 = arith.constant 1.000000e+00 : f32
      %jit3A_820 = arith.constant 0.000000e+00 : f32
      %broadcast_in_dim3A_821 = vector.broadcast %jit3A_819 : f32 to vector<16xf32>
      %broadcast_in_dim3A_822 = vector.broadcast %jit3A_820 : f32 to vector<16xf32>
      %select_n3A_823 = arith.select %ne3A_818, %broadcast_in_dim3A_821, %broadcast_in_dim3A_822 : vector<16xi1>, vector<16xf32>
      %swap3A_824 = arith.constant 192 : index
      %swap3A_825 = tpu.vector_load %arg7[%swap3A_824] {strides = array<i32>} : memref<640xf32, #tpu.memory_space<vmem>>, vector<16xf32>,
      tpu.vector_store %arg7[%swap3A_824], %select_n3A_823 {strides = array<i32>} : memref<640xf32, #tpu.memory_space<vmem>>, vector<16xf32>,
      %add3A_826 = arith.constant 208 : i32
      %add3A_827 = arith.addi %mul3A_648, %add3A_826 : i32
      %get3A_828 = arith.index_cast %add3A_827 : i32 to index
      %get3A_829 = tpu.vector_load %arg6[%get3A_828] {strides = array<i32>} : memref<25600xi32, #tpu.memory_space<vmem>>, vector<16xi32>,
      %ne3A_830 = arith.constant 0 : i32
      %ne3A_831 = vector.broadcast %ne3A_830 : i32 to vector<16xi32>
      %ne3A_832 = arith.cmpi ne, %get3A_829, %ne3A_831 : vector<16xi32>
      %jit3A_833 = arith.constant 1.000000e+00 : f32
      %jit3A_834 = arith.constant 0.000000e+00 : f32
      %broadcast_in_dim3A_835 = vector.broadcast %jit3A_833 : f32 to vector<16xf32>
      %broadcast_in_dim3A_836 = vector.broadcast %jit3A_834 : f32 to vector<16xf32>
      %select_n3A_837 = arith.select %ne3A_832, %broadcast_in_dim3A_835, %broadcast_in_dim3A_836 : vector<16xi1>, vector<16xf32>
      %swap3A_838 = arith.constant 208 : index
      %swap3A_839 = tpu.vector_load %arg7[%swap3A_838] {strides = array<i32>} : memref<640xf32, #tpu.memory_space<vmem>>, vector<16xf32>,
      tpu.vector_store %arg7[%swap3A_838], %select_n3A_837 {strides = array<i32>} : memref<640xf32, #tpu.memory_space<vmem>>, vector<16xf32>,
      %add3A_840 = arith.constant 224 : i32
      %add3A_841 = arith.addi %mul3A_648, %add3A_840 : i32
      %get3A_842 = arith.index_cast %add3A_841 : i32 to index
      %get3A_843 = tpu.vector_load %arg6[%get3A_842] {strides = array<i32>} : memref<25600xi32, #tpu.memory_space<vmem>>, vector<16xi32>,
      %ne3A_844 = arith.constant 0 : i32
      %ne3A_845 = vector.broadcast %ne3A_844 : i32 to vector<16xi32>
      %ne3A_846 = arith.cmpi ne, %get3A_843, %ne3A_845 : vector<16xi32>
      %jit3A_847 = arith.constant 1.000000e+00 : f32
      %jit3A_848 = arith.constant 0.000000e+00 : f32
      %broadcast_in_dim3A_849 = vector.broadcast %jit3A_847 : f32 to vector<16xf32>
      %broadcast_in_dim3A_850 = vector.broadcast %jit3A_848 : f32 to vector<16xf32>
      %select_n3A_851 = arith.select %ne3A_846, %broadcast_in_dim3A_849, %broadcast_in_dim3A_850 : vector<16xi1>, vector<16xf32>
      %swap3A_852 = arith.constant 224 : index
      %swap3A_853 = tpu.vector_load %arg7[%swap3A_852] {strides = array<i32>} : memref<640xf32, #tpu.memory_space<vmem>>, vector<16xf32>,
      tpu.vector_store %arg7[%swap3A_852], %select_n3A_851 {strides = array<i32>} : memref<640xf32, #tpu.memory_space<vmem>>, vector<16xf32>,
      %add3A_854 = arith.constant 240 : i32
      %add3A_855 = arith.addi %mul3A_648, %add3A_854 : i32
      %get3A_856 = arith.index_cast %add3A_855 : i32 to index
      %get3A_857 = tpu.vector_load %arg6[%get3A_856] {strides = array<i32>} : memref<25600xi32, #tpu.memory_space<vmem>>, vector<16xi32>,
      %ne3A_858 = arith.constant 0 : i32
      %ne3A_859 = vector.broadcast %ne3A_858 : i32 to vector<16xi32>
      %ne3A_860 = arith.cmpi ne, %get3A_857, %ne3A_859 : vector<16xi32>
      %jit3A_861 = arith.constant 1.000000e+00 : f32
      %jit3A_862 = arith.constant 0.000000e+00 : f32
      %broadcast_in_dim3A_863 = vector.broadcast %jit3A_861 : f32 to vector<16xf32>
      %broadcast_in_dim3A_864 = vector.broadcast %jit3A_862 : f32 to vector<16xf32>
      %select_n3A_865 = arith.select %ne3A_860, %broadcast_in_dim3A_863, %broadcast_in_dim3A_864 : vector<16xi1>, vector<16xf32>
      %swap3A_866 = arith.constant 240 : index
      %swap3A_867 = tpu.vector_load %arg7[%swap3A_866] {strides = array<i32>} : memref<640xf32, #tpu.memory_space<vmem>>, vector<16xf32>,
      tpu.vector_store %arg7[%swap3A_866], %select_n3A_865 {strides = array<i32>} : memref<640xf32, #tpu.memory_space<vmem>>, vector<16xf32>,
      %add3A_868 = arith.constant 256 : i32
      %add3A_869 = arith.addi %mul3A_648, %add3A_868 : i32
      %get3A_870 = arith.index_cast %add3A_869 : i32 to index
      %get3A_871 = tpu.vector_load %arg6[%get3A_870] {strides = array<i32>} : memref<25600xi32, #tpu.memory_space<vmem>>, vector<16xi32>,
      %ne3A_872 = arith.constant 0 : i32
      %ne3A_873 = vector.broadcast %ne3A_872 : i32 to vector<16xi32>
      %ne3A_874 = arith.cmpi ne, %get3A_871, %ne3A_873 : vector<16xi32>
      %jit3A_875 = arith.constant 1.000000e+00 : f32
      %jit3A_876 = arith.constant 0.000000e+00 : f32
      %broadcast_in_dim3A_877 = vector.broadcast %jit3A_875 : f32 to vector<16xf32>
      %broadcast_in_dim3A_878 = vector.broadcast %jit3A_876 : f32 to vector<16xf32>
      %select_n3A_879 = arith.select %ne3A_874, %broadcast_in_dim3A_877, %broadcast_in_dim3A_878 : vector<16xi1>, vector<16xf32>
      %swap3A_880 = arith.constant 256 : index
      %swap3A_881 = tpu.vector_load %arg7[%swap3A_880] {strides = array<i32>} : memref<640xf32, #tpu.memory_space<vmem>>, vector<16xf32>,
      tpu.vector_store %arg7[%swap3A_880], %select_n3A_879 {strides = array<i32>} : memref<640xf32, #tpu.memory_space<vmem>>, vector<16xf32>,
      %add3A_882 = arith.constant 272 : i32
      %add3A_883 = arith.addi %mul3A_648, %add3A_882 : i32
      %get3A_884 = arith.index_cast %add3A_883 : i32 to index
      %get3A_885 = tpu.vector_load %arg6[%get3A_884] {strides = array<i32>} : memref<25600xi32, #tpu.memory_space<vmem>>, vector<16xi32>,
      %ne3A_886 = arith.constant 0 : i32
      %ne3A_887 = vector.broadcast %ne3A_886 : i32 to vector<16xi32>
      %ne3A_888 = arith.cmpi ne, %get3A_885, %ne3A_887 : vector<16xi32>
      %jit3A_889 = arith.constant 1.000000e+00 : f32
      %jit3A_890 = arith.constant 0.000000e+00 : f32
      %broadcast_in_dim3A_891 = vector.broadcast %jit3A_889 : f32 to vector<16xf32>
      %broadcast_in_dim3A_892 = vector.broadcast %jit3A_890 : f32 to vector<16xf32>
      %select_n3A_893 = arith.select %ne3A_888, %broadcast_in_dim3A_891, %broadcast_in_dim3A_892 : vector<16xi1>, vector<16xf32>
      %swap3A_894 = arith.constant 272 : index
      %swap3A_895 = tpu.vector_load %arg7[%swap3A_894] {strides = array<i32>} : memref<640xf32, #tpu.memory_space<vmem>>, vector<16xf32>,
      tpu.vector_store %arg7[%swap3A_894], %select_n3A_893 {strides = array<i32>} : memref<640xf32, #tpu.memory_space<vmem>>, vector<16xf32>,
      %add3A_896 = arith.constant 288 : i32
      %add3A_897 = arith.addi %mul3A_648, %add3A_896 : i32
      %get3A_898 = arith.index_cast %add3A_897 : i32 to index
      %get3A_899 = tpu.vector_load %arg6[%get3A_898] {strides = array<i32>} : memref<25600xi32, #tpu.memory_space<vmem>>, vector<16xi32>,
      %ne3A_900 = arith.constant 0 : i32
      %ne3A_901 = vector.broadcast %ne3A_900 : i32 to vector<16xi32>
      %ne3A_902 = arith.cmpi ne, %get3A_899, %ne3A_901 : vector<16xi32>
      %jit3A_903 = arith.constant 1.000000e+00 : f32
      %jit3A_904 = arith.constant 0.000000e+00 : f32
      %broadcast_in_dim3A_905 = vector.broadcast %jit3A_903 : f32 to vector<16xf32>
      %broadcast_in_dim3A_906 = vector.broadcast %jit3A_904 : f32 to vector<16xf32>
      %select_n3A_907 = arith.select %ne3A_902, %broadcast_in_dim3A_905, %broadcast_in_dim3A_906 : vector<16xi1>, vector<16xf32>
      %swap3A_908 = arith.constant 288 : index
      %swap3A_909 = tpu.vector_load %arg7[%swap3A_908] {strides = array<i32>} : memref<640xf32, #tpu.memory_space<vmem>>, vector<16xf32>,
      tpu.vector_store %arg7[%swap3A_908], %select_n3A_907 {strides = array<i32>} : memref<640xf32, #tpu.memory_space<vmem>>, vector<16xf32>,
      %add3A_910 = arith.constant 304 : i32
      %add3A_911 = arith.addi %mul3A_648, %add3A_910 : i32
      %get3A_912 = arith.index_cast %add3A_911 : i32 to index
      %get3A_913 = tpu.vector_load %arg6[%get3A_912] {strides = array<i32>} : memref<25600xi32, #tpu.memory_space<vmem>>, vector<16xi32>,
      %ne3A_914 = arith.constant 0 : i32
      %ne3A_915 = vector.broadcast %ne3A_914 : i32 to vector<16xi32>
      %ne3A_916 = arith.cmpi ne, %get3A_913, %ne3A_915 : vector<16xi32>
      %jit3A_917 = arith.constant 1.000000e+00 : f32
      %jit3A_918 = arith.constant 0.000000e+00 : f32
      %broadcast_in_dim3A_919 = vector.broadcast %jit3A_917 : f32 to vector<16xf32>
      %broadcast_in_dim3A_920 = vector.broadcast %jit3A_918 : f32 to vector<16xf32>
      %select_n3A_921 = arith.select %ne3A_916, %broadcast_in_dim3A_919, %broadcast_in_dim3A_920 : vector<16xi1>, vector<16xf32>
      %swap3A_922 = arith.constant 304 : index
      %swap3A_923 = tpu.vector_load %arg7[%swap3A_922] {strides = array<i32>} : memref<640xf32, #tpu.memory_space<vmem>>, vector<16xf32>,
      tpu.vector_store %arg7[%swap3A_922], %select_n3A_921 {strides = array<i32>} : memref<640xf32, #tpu.memory_space<vmem>>, vector<16xf32>,
      %add3A_924 = arith.constant 320 : i32
      %add3A_925 = arith.addi %mul3A_648, %add3A_924 : i32
      %get3A_926 = arith.index_cast %add3A_925 : i32 to index
      %get3A_927 = tpu.vector_load %arg6[%get3A_926] {strides = array<i32>} : memref<25600xi32, #tpu.memory_space<vmem>>, vector<16xi32>,
      %ne3A_928 = arith.constant 0 : i32
      %ne3A_929 = vector.broadcast %ne3A_928 : i32 to vector<16xi32>
      %ne3A_930 = arith.cmpi ne, %get3A_927, %ne3A_929 : vector<16xi32>
      %jit3A_931 = arith.constant 1.000000e+00 : f32
      %jit3A_932 = arith.constant 0.000000e+00 : f32
      %broadcast_in_dim3A_933 = vector.broadcast %jit3A_931 : f32 to vector<16xf32>
      %broadcast_in_dim3A_934 = vector.broadcast %jit3A_932 : f32 to vector<16xf32>
      %select_n3A_935 = arith.select %ne3A_930, %broadcast_in_dim3A_933, %broadcast_in_dim3A_934 : vector<16xi1>, vector<16xf32>
      %swap3A_936 = arith.constant 320 : index
      %swap3A_937 = tpu.vector_load %arg7[%swap3A_936] {strides = array<i32>} : memref<640xf32, #tpu.memory_space<vmem>>, vector<16xf32>,
      tpu.vector_store %arg7[%swap3A_936], %select_n3A_935 {strides = array<i32>} : memref<640xf32, #tpu.memory_space<vmem>>, vector<16xf32>,
      %add3A_938 = arith.constant 336 : i32
      %add3A_939 = arith.addi %mul3A_648, %add3A_938 : i32
      %get3A_940 = arith.index_cast %add3A_939 : i32 to index
      %get3A_941 = tpu.vector_load %arg6[%get3A_940] {strides = array<i32>} : memref<25600xi32, #tpu.memory_space<vmem>>, vector<16xi32>,
      %ne3A_942 = arith.constant 0 : i32
      %ne3A_943 = vector.broadcast %ne3A_942 : i32 to vector<16xi32>
      %ne3A_944 = arith.cmpi ne, %get3A_941, %ne3A_943 : vector<16xi32>
      %jit3A_945 = arith.constant 1.000000e+00 : f32
      %jit3A_946 = arith.constant 0.000000e+00 : f32
      %broadcast_in_dim3A_947 = vector.broadcast %jit3A_945 : f32 to vector<16xf32>
      %broadcast_in_dim3A_948 = vector.broadcast %jit3A_946 : f32 to vector<16xf32>
      %select_n3A_949 = arith.select %ne3A_944, %broadcast_in_dim3A_947, %broadcast_in_dim3A_948 : vector<16xi1>, vector<16xf32>
      %swap3A_950 = arith.constant 336 : index
      %swap3A_951 = tpu.vector_load %arg7[%swap3A_950] {strides = array<i32>} : memref<640xf32, #tpu.memory_space<vmem>>, vector<16xf32>,
      tpu.vector_store %arg7[%swap3A_950], %select_n3A_949 {strides = array<i32>} : memref<640xf32, #tpu.memory_space<vmem>>, vector<16xf32>,
      %add3A_952 = arith.constant 352 : i32
      %add3A_953 = arith.addi %mul3A_648, %add3A_952 : i32
      %get3A_954 = arith.index_cast %add3A_953 : i32 to index
      %get3A_955 = tpu.vector_load %arg6[%get3A_954] {strides = array<i32>} : memref<25600xi32, #tpu.memory_space<vmem>>, vector<16xi32>,
      %ne3A_956 = arith.constant 0 : i32
      %ne3A_957 = vector.broadcast %ne3A_956 : i32 to vector<16xi32>
      %ne3A_958 = arith.cmpi ne, %get3A_955, %ne3A_957 : vector<16xi32>
      %jit3A_959 = arith.constant 1.000000e+00 : f32
      %jit3A_960 = arith.constant 0.000000e+00 : f32
      %broadcast_in_dim3A_961 = vector.broadcast %jit3A_959 : f32 to vector<16xf32>
      %broadcast_in_dim3A_962 = vector.broadcast %jit3A_960 : f32 to vector<16xf32>
      %select_n3A_963 = arith.select %ne3A_958, %broadcast_in_dim3A_961, %broadcast_in_dim3A_962 : vector<16xi1>, vector<16xf32>
      %swap3A_964 = arith.constant 352 : index
      %swap3A_965 = tpu.vector_load %arg7[%swap3A_964] {strides = array<i32>} : memref<640xf32, #tpu.memory_space<vmem>>, vector<16xf32>,
      tpu.vector_store %arg7[%swap3A_964], %select_n3A_963 {strides = array<i32>} : memref<640xf32, #tpu.memory_space<vmem>>, vector<16xf32>,
      %add3A_966 = arith.constant 368 : i32
      %add3A_967 = arith.addi %mul3A_648, %add3A_966 : i32
      %get3A_968 = arith.index_cast %add3A_967 : i32 to index
      %get3A_969 = tpu.vector_load %arg6[%get3A_968] {strides = array<i32>} : memref<25600xi32, #tpu.memory_space<vmem>>, vector<16xi32>,
      %ne3A_970 = arith.constant 0 : i32
      %ne3A_971 = vector.broadcast %ne3A_970 : i32 to vector<16xi32>
      %ne3A_972 = arith.cmpi ne, %get3A_969, %ne3A_971 : vector<16xi32>
      %jit3A_973 = arith.constant 1.000000e+00 : f32
      %jit3A_974 = arith.constant 0.000000e+00 : f32
      %broadcast_in_dim3A_975 = vector.broadcast %jit3A_973 : f32 to vector<16xf32>
      %broadcast_in_dim3A_976 = vector.broadcast %jit3A_974 : f32 to vector<16xf32>
      %select_n3A_977 = arith.select %ne3A_972, %broadcast_in_dim3A_975, %broadcast_in_dim3A_976 : vector<16xi1>, vector<16xf32>
      %swap3A_978 = arith.constant 368 : index
      %swap3A_979 = tpu.vector_load %arg7[%swap3A_978] {strides = array<i32>} : memref<640xf32, #tpu.memory_space<vmem>>, vector<16xf32>,
      tpu.vector_store %arg7[%swap3A_978], %select_n3A_977 {strides = array<i32>} : memref<640xf32, #tpu.memory_space<vmem>>, vector<16xf32>,
      %add3A_980 = arith.constant 384 : i32
      %add3A_981 = arith.addi %mul3A_648, %add3A_980 : i32
      %get3A_982 = arith.index_cast %add3A_981 : i32 to index
      %get3A_983 = tpu.vector_load %arg6[%get3A_982] {strides = array<i32>} : memref<25600xi32, #tpu.memory_space<vmem>>, vector<16xi32>,
      %ne3A_984 = arith.constant 0 : i32
      %ne3A_985 = vector.broadcast %ne3A_984 : i32 to vector<16xi32>
      %ne3A_986 = arith.cmpi ne, %get3A_983, %ne3A_985 : vector<16xi32>
      %jit3A_987 = arith.constant 1.000000e+00 : f32
      %jit3A_988 = arith.constant 0.000000e+00 : f32
      %broadcast_in_dim3A_989 = vector.broadcast %jit3A_987 : f32 to vector<16xf32>
      %broadcast_in_dim3A_990 = vector.broadcast %jit3A_988 : f32 to vector<16xf32>
      %select_n3A_991 = arith.select %ne3A_986, %broadcast_in_dim3A_989, %broadcast_in_dim3A_990 : vector<16xi1>, vector<16xf32>
      %swap3A_992 = arith.constant 384 : index
      %swap3A_993 = tpu.vector_load %arg7[%swap3A_992] {strides = array<i32>} : memref<640xf32, #tpu.memory_space<vmem>>, vector<16xf32>,
      tpu.vector_store %arg7[%swap3A_992], %select_n3A_991 {strides = array<i32>} : memref<640xf32, #tpu.memory_space<vmem>>, vector<16xf32>,
      %add3A_994 = arith.constant 400 : i32
      %add3A_995 = arith.addi %mul3A_648, %add3A_994 : i32
      %get3A_996 = arith.index_cast %add3A_995 : i32 to index
      %get3A_997 = tpu.vector_load %arg6[%get3A_996] {strides = array<i32>} : memref<25600xi32, #tpu.memory_space<vmem>>, vector<16xi32>,
      %ne3A_998 = arith.constant 0 : i32
      %ne3A_999 = vector.broadcast %ne3A_998 : i32 to vector<16xi32>
      %ne3A_1000 = arith.cmpi ne, %get3A_997, %ne3A_999 : vector<16xi32>
      %jit3A_1001 = arith.constant 1.000000e+00 : f32
      %jit3A_1002 = arith.constant 0.000000e+00 : f32
      %broadcast_in_dim3A_1003 = vector.broadcast %jit3A_1001 : f32 to vector<16xf32>
      %broadcast_in_dim3A_1004 = vector.broadcast %jit3A_1002 : f32 to vector<16xf32>
      %select_n3A_1005 = arith.select %ne3A_1000, %broadcast_in_dim3A_1003, %broadcast_in_dim3A_1004 : vector<16xi1>, vector<16xf32>
      %swap3A_1006 = arith.constant 400 : index
      %swap3A_1007 = tpu.vector_load %arg7[%swap3A_1006] {strides = array<i32>} : memref<640xf32, #tpu.memory_space<vmem>>, vector<16xf32>,
      tpu.vector_store %arg7[%swap3A_1006], %select_n3A_1005 {strides = array<i32>} : memref<640xf32, #tpu.memory_space<vmem>>, vector<16xf32>,
      %add3A_1008 = arith.constant 416 : i32
      %add3A_1009 = arith.addi %mul3A_648, %add3A_1008 : i32
      %get3A_1010 = arith.index_cast %add3A_1009 : i32 to index
      %get3A_1011 = tpu.vector_load %arg6[%get3A_1010] {strides = array<i32>} : memref<25600xi32, #tpu.memory_space<vmem>>, vector<16xi32>,
      %ne3A_1012 = arith.constant 0 : i32
      %ne3A_1013 = vector.broadcast %ne3A_1012 : i32 to vector<16xi32>
      %ne3A_1014 = arith.cmpi ne, %get3A_1011, %ne3A_1013 : vector<16xi32>
      %jit3A_1015 = arith.constant 1.000000e+00 : f32
      %jit3A_1016 = arith.constant 0.000000e+00 : f32
      %broadcast_in_dim3A_1017 = vector.broadcast %jit3A_1015 : f32 to vector<16xf32>
      %broadcast_in_dim3A_1018 = vector.broadcast %jit3A_1016 : f32 to vector<16xf32>
      %select_n3A_1019 = arith.select %ne3A_1014, %broadcast_in_dim3A_1017, %broadcast_in_dim3A_1018 : vector<16xi1>, vector<16xf32>
      %swap3A_1020 = arith.constant 416 : index
      %swap3A_1021 = tpu.vector_load %arg7[%swap3A_1020] {strides = array<i32>} : memref<640xf32, #tpu.memory_space<vmem>>, vector<16xf32>,
      tpu.vector_store %arg7[%swap3A_1020], %select_n3A_1019 {strides = array<i32>} : memref<640xf32, #tpu.memory_space<vmem>>, vector<16xf32>,
      %add3A_1022 = arith.constant 432 : i32
      %add3A_1023 = arith.addi %mul3A_648, %add3A_1022 : i32
      %get3A_1024 = arith.index_cast %add3A_1023 : i32 to index
      %get3A_1025 = tpu.vector_load %arg6[%get3A_1024] {strides = array<i32>} : memref<25600xi32, #tpu.memory_space<vmem>>, vector<16xi32>,
      %ne3A_1026 = arith.constant 0 : i32
      %ne3A_1027 = vector.broadcast %ne3A_1026 : i32 to vector<16xi32>
      %ne3A_1028 = arith.cmpi ne, %get3A_1025, %ne3A_1027 : vector<16xi32>
      %jit3A_1029 = arith.constant 1.000000e+00 : f32
      %jit3A_1030 = arith.constant 0.000000e+00 : f32
      %broadcast_in_dim3A_1031 = vector.broadcast %jit3A_1029 : f32 to vector<16xf32>
      %broadcast_in_dim3A_1032 = vector.broadcast %jit3A_1030 : f32 to vector<16xf32>
      %select_n3A_1033 = arith.select %ne3A_1028, %broadcast_in_dim3A_1031, %broadcast_in_dim3A_1032 : vector<16xi1>, vector<16xf32>
      %swap3A_1034 = arith.constant 432 : index
      %swap3A_1035 = tpu.vector_load %arg7[%swap3A_1034] {strides = array<i32>} : memref<640xf32, #tpu.memory_space<vmem>>, vector<16xf32>,
      tpu.vector_store %arg7[%swap3A_1034], %select_n3A_1033 {strides = array<i32>} : memref<640xf32, #tpu.memory_space<vmem>>, vector<16xf32>,
      %add3A_1036 = arith.constant 448 : i32
      %add3A_1037 = arith.addi %mul3A_648, %add3A_1036 : i32
      %get3A_1038 = arith.index_cast %add3A_1037 : i32 to index
      %get3A_1039 = tpu.vector_load %arg6[%get3A_1038] {strides = array<i32>} : memref<25600xi32, #tpu.memory_space<vmem>>, vector<16xi32>,
      %ne3A_1040 = arith.constant 0 : i32
      %ne3A_1041 = vector.broadcast %ne3A_1040 : i32 to vector<16xi32>
      %ne3A_1042 = arith.cmpi ne, %get3A_1039, %ne3A_1041 : vector<16xi32>
      %jit3A_1043 = arith.constant 1.000000e+00 : f32
      %jit3A_1044 = arith.constant 0.000000e+00 : f32
      %broadcast_in_dim3A_1045 = vector.broadcast %jit3A_1043 : f32 to vector<16xf32>
      %broadcast_in_dim3A_1046 = vector.broadcast %jit3A_1044 : f32 to vector<16xf32>
      %select_n3A_1047 = arith.select %ne3A_1042, %broadcast_in_dim3A_1045, %broadcast_in_dim3A_1046 : vector<16xi1>, vector<16xf32>
      %swap3A_1048 = arith.constant 448 : index
      %swap3A_1049 = tpu.vector_load %arg7[%swap3A_1048] {strides = array<i32>} : memref<640xf32, #tpu.memory_space<vmem>>, vector<16xf32>,
      tpu.vector_store %arg7[%swap3A_1048], %select_n3A_1047 {strides = array<i32>} : memref<640xf32, #tpu.memory_space<vmem>>, vector<16xf32>,
      %add3A_1050 = arith.constant 464 : i32
      %add3A_1051 = arith.addi %mul3A_648, %add3A_1050 : i32
      %get3A_1052 = arith.index_cast %add3A_1051 : i32 to index
      %get3A_1053 = tpu.vector_load %arg6[%get3A_1052] {strides = array<i32>} : memref<25600xi32, #tpu.memory_space<vmem>>, vector<16xi32>,
      %ne3A_1054 = arith.constant 0 : i32
      %ne3A_1055 = vector.broadcast %ne3A_1054 : i32 to vector<16xi32>
      %ne3A_1056 = arith.cmpi ne, %get3A_1053, %ne3A_1055 : vector<16xi32>
      %jit3A_1057 = arith.constant 1.000000e+00 : f32
      %jit3A_1058 = arith.constant 0.000000e+00 : f32
      %broadcast_in_dim3A_1059 = vector.broadcast %jit3A_1057 : f32 to vector<16xf32>
      %broadcast_in_dim3A_1060 = vector.broadcast %jit3A_1058 : f32 to vector<16xf32>
      %select_n3A_1061 = arith.select %ne3A_1056, %broadcast_in_dim3A_1059, %broadcast_in_dim3A_1060 : vector<16xi1>, vector<16xf32>
      %swap3A_1062 = arith.constant 464 : index
      %swap3A_1063 = tpu.vector_load %arg7[%swap3A_1062] {strides = array<i32>} : memref<640xf32, #tpu.memory_space<vmem>>, vector<16xf32>,
      tpu.vector_store %arg7[%swap3A_1062], %select_n3A_1061 {strides = array<i32>} : memref<640xf32, #tpu.memory_space<vmem>>, vector<16xf32>,
      %add3A_1064 = arith.constant 480 : i32
      %add3A_1065 = arith.addi %mul3A_648, %add3A_1064 : i32
      %get3A_1066 = arith.index_cast %add3A_1065 : i32 to index
      %get3A_1067 = tpu.vector_load %arg6[%get3A_1066] {strides = array<i32>} : memref<25600xi32, #tpu.memory_space<vmem>>, vector<16xi32>,
      %ne3A_1068 = arith.constant 0 : i32
      %ne3A_1069 = vector.broadcast %ne3A_1068 : i32 to vector<16xi32>
      %ne3A_1070 = arith.cmpi ne, %get3A_1067, %ne3A_1069 : vector<16xi32>
      %jit3A_1071 = arith.constant 1.000000e+00 : f32
      %jit3A_1072 = arith.constant 0.000000e+00 : f32
      %broadcast_in_dim3A_1073 = vector.broadcast %jit3A_1071 : f32 to vector<16xf32>
      %broadcast_in_dim3A_1074 = vector.broadcast %jit3A_1072 : f32 to vector<16xf32>
      %select_n3A_1075 = arith.select %ne3A_1070, %broadcast_in_dim3A_1073, %broadcast_in_dim3A_1074 : vector<16xi1>, vector<16xf32>
      %swap3A_1076 = arith.constant 480 : index
      %swap3A_1077 = tpu.vector_load %arg7[%swap3A_1076] {strides = array<i32>} : memref<640xf32, #tpu.memory_space<vmem>>, vector<16xf32>,
      tpu.vector_store %arg7[%swap3A_1076], %select_n3A_1075 {strides = array<i32>} : memref<640xf32, #tpu.memory_space<vmem>>, vector<16xf32>,
      %add3A_1078 = arith.constant 496 : i32
      %add3A_1079 = arith.addi %mul3A_648, %add3A_1078 : i32
      %get3A_1080 = arith.index_cast %add3A_1079 : i32 to index
      %get3A_1081 = tpu.vector_load %arg6[%get3A_1080] {strides = array<i32>} : memref<25600xi32, #tpu.memory_space<vmem>>, vector<16xi32>,
      %ne3A_1082 = arith.constant 0 : i32
      %ne3A_1083 = vector.broadcast %ne3A_1082 : i32 to vector<16xi32>
      %ne3A_1084 = arith.cmpi ne, %get3A_1081, %ne3A_1083 : vector<16xi32>
      %jit3A_1085 = arith.constant 1.000000e+00 : f32
      %jit3A_1086 = arith.constant 0.000000e+00 : f32
      %broadcast_in_dim3A_1087 = vector.broadcast %jit3A_1085 : f32 to vector<16xf32>
      %broadcast_in_dim3A_1088 = vector.broadcast %jit3A_1086 : f32 to vector<16xf32>
      %select_n3A_1089 = arith.select %ne3A_1084, %broadcast_in_dim3A_1087, %broadcast_in_dim3A_1088 : vector<16xi1>, vector<16xf32>
      %swap3A_1090 = arith.constant 496 : index
      %swap3A_1091 = tpu.vector_load %arg7[%swap3A_1090] {strides = array<i32>} : memref<640xf32, #tpu.memory_space<vmem>>, vector<16xf32>,
      tpu.vector_store %arg7[%swap3A_1090], %select_n3A_1089 {strides = array<i32>} : memref<640xf32, #tpu.memory_space<vmem>>, vector<16xf32>,
      %add3A_1092 = arith.constant 512 : i32
      %add3A_1093 = arith.addi %mul3A_648, %add3A_1092 : i32
      %get3A_1094 = arith.index_cast %add3A_1093 : i32 to index
      %get3A_1095 = tpu.vector_load %arg6[%get3A_1094] {strides = array<i32>} : memref<25600xi32, #tpu.memory_space<vmem>>, vector<16xi32>,
      %ne3A_1096 = arith.constant 0 : i32
      %ne3A_1097 = vector.broadcast %ne3A_1096 : i32 to vector<16xi32>
      %ne3A_1098 = arith.cmpi ne, %get3A_1095, %ne3A_1097 : vector<16xi32>
      %jit3A_1099 = arith.constant 1.000000e+00 : f32
      %jit3A_1100 = arith.constant 0.000000e+00 : f32
      %broadcast_in_dim3A_1101 = vector.broadcast %jit3A_1099 : f32 to vector<16xf32>
      %broadcast_in_dim3A_1102 = vector.broadcast %jit3A_1100 : f32 to vector<16xf32>
      %select_n3A_1103 = arith.select %ne3A_1098, %broadcast_in_dim3A_1101, %broadcast_in_dim3A_1102 : vector<16xi1>, vector<16xf32>
      %swap3A_1104 = arith.constant 512 : index
      %swap3A_1105 = tpu.vector_load %arg7[%swap3A_1104] {strides = array<i32>} : memref<640xf32, #tpu.memory_space<vmem>>, vector<16xf32>,
      tpu.vector_store %arg7[%swap3A_1104], %select_n3A_1103 {strides = array<i32>} : memref<640xf32, #tpu.memory_space<vmem>>, vector<16xf32>,
      %add3A_1106 = arith.constant 528 : i32
      %add3A_1107 = arith.addi %mul3A_648, %add3A_1106 : i32
      %get3A_1108 = arith.index_cast %add3A_1107 : i32 to index
      %get3A_1109 = tpu.vector_load %arg6[%get3A_1108] {strides = array<i32>} : memref<25600xi32, #tpu.memory_space<vmem>>, vector<16xi32>,
      %ne3A_1110 = arith.constant 0 : i32
      %ne3A_1111 = vector.broadcast %ne3A_1110 : i32 to vector<16xi32>
      %ne3A_1112 = arith.cmpi ne, %get3A_1109, %ne3A_1111 : vector<16xi32>
      %jit3A_1113 = arith.constant 1.000000e+00 : f32
      %jit3A_1114 = arith.constant 0.000000e+00 : f32
      %broadcast_in_dim3A_1115 = vector.broadcast %jit3A_1113 : f32 to vector<16xf32>
      %broadcast_in_dim3A_1116 = vector.broadcast %jit3A_1114 : f32 to vector<16xf32>
      %select_n3A_1117 = arith.select %ne3A_1112, %broadcast_in_dim3A_1115, %broadcast_in_dim3A_1116 : vector<16xi1>, vector<16xf32>
      %swap3A_1118 = arith.constant 528 : index
      %swap3A_1119 = tpu.vector_load %arg7[%swap3A_1118] {strides = array<i32>} : memref<640xf32, #tpu.memory_space<vmem>>, vector<16xf32>,
      tpu.vector_store %arg7[%swap3A_1118], %select_n3A_1117 {strides = array<i32>} : memref<640xf32, #tpu.memory_space<vmem>>, vector<16xf32>,
      %add3A_1120 = arith.constant 544 : i32
      %add3A_1121 = arith.addi %mul3A_648, %add3A_1120 : i32
      %get3A_1122 = arith.index_cast %add3A_1121 : i32 to index
      %get3A_1123 = tpu.vector_load %arg6[%get3A_1122] {strides = array<i32>} : memref<25600xi32, #tpu.memory_space<vmem>>, vector<16xi32>,
      %ne3A_1124 = arith.constant 0 : i32
      %ne3A_1125 = vector.broadcast %ne3A_1124 : i32 to vector<16xi32>
      %ne3A_1126 = arith.cmpi ne, %get3A_1123, %ne3A_1125 : vector<16xi32>
      %jit3A_1127 = arith.constant 1.000000e+00 : f32
      %jit3A_1128 = arith.constant 0.000000e+00 : f32
      %broadcast_in_dim3A_1129 = vector.broadcast %jit3A_1127 : f32 to vector<16xf32>
      %broadcast_in_dim3A_1130 = vector.broadcast %jit3A_1128 : f32 to vector<16xf32>
      %select_n3A_1131 = arith.select %ne3A_1126, %broadcast_in_dim3A_1129, %broadcast_in_dim3A_1130 : vector<16xi1>, vector<16xf32>
      %swap3A_1132 = arith.constant 544 : index
      %swap3A_1133 = tpu.vector_load %arg7[%swap3A_1132] {strides = array<i32>} : memref<640xf32, #tpu.memory_space<vmem>>, vector<16xf32>,
      tpu.vector_store %arg7[%swap3A_1132], %select_n3A_1131 {strides = array<i32>} : memref<640xf32, #tpu.memory_space<vmem>>, vector<16xf32>,
      %add3A_1134 = arith.constant 560 : i32
      %add3A_1135 = arith.addi %mul3A_648, %add3A_1134 : i32
      %get3A_1136 = arith.index_cast %add3A_1135 : i32 to index
      %get3A_1137 = tpu.vector_load %arg6[%get3A_1136] {strides = array<i32>} : memref<25600xi32, #tpu.memory_space<vmem>>, vector<16xi32>,
      %ne3A_1138 = arith.constant 0 : i32
      %ne3A_1139 = vector.broadcast %ne3A_1138 : i32 to vector<16xi32>
      %ne3A_1140 = arith.cmpi ne, %get3A_1137, %ne3A_1139 : vector<16xi32>
      %jit3A_1141 = arith.constant 1.000000e+00 : f32
      %jit3A_1142 = arith.constant 0.000000e+00 : f32
      %broadcast_in_dim3A_1143 = vector.broadcast %jit3A_1141 : f32 to vector<16xf32>
      %broadcast_in_dim3A_1144 = vector.broadcast %jit3A_1142 : f32 to vector<16xf32>
      %select_n3A_1145 = arith.select %ne3A_1140, %broadcast_in_dim3A_1143, %broadcast_in_dim3A_1144 : vector<16xi1>, vector<16xf32>
      %swap3A_1146 = arith.constant 560 : index
      %swap3A_1147 = tpu.vector_load %arg7[%swap3A_1146] {strides = array<i32>} : memref<640xf32, #tpu.memory_space<vmem>>, vector<16xf32>,
      tpu.vector_store %arg7[%swap3A_1146], %select_n3A_1145 {strides = array<i32>} : memref<640xf32, #tpu.memory_space<vmem>>, vector<16xf32>,
      %add3A_1148 = arith.constant 576 : i32
      %add3A_1149 = arith.addi %mul3A_648, %add3A_1148 : i32
      %get3A_1150 = arith.index_cast %add3A_1149 : i32 to index
      %get3A_1151 = tpu.vector_load %arg6[%get3A_1150] {strides = array<i32>} : memref<25600xi32, #tpu.memory_space<vmem>>, vector<16xi32>,
      %ne3A_1152 = arith.constant 0 : i32
      %ne3A_1153 = vector.broadcast %ne3A_1152 : i32 to vector<16xi32>
      %ne3A_1154 = arith.cmpi ne, %get3A_1151, %ne3A_1153 : vector<16xi32>
      %jit3A_1155 = arith.constant 1.000000e+00 : f32
      %jit3A_1156 = arith.constant 0.000000e+00 : f32
      %broadcast_in_dim3A_1157 = vector.broadcast %jit3A_1155 : f32 to vector<16xf32>
      %broadcast_in_dim3A_1158 = vector.broadcast %jit3A_1156 : f32 to vector<16xf32>
      %select_n3A_1159 = arith.select %ne3A_1154, %broadcast_in_dim3A_1157, %broadcast_in_dim3A_1158 : vector<16xi1>, vector<16xf32>
      %swap3A_1160 = arith.constant 576 : index
      %swap3A_1161 = tpu.vector_load %arg7[%swap3A_1160] {strides = array<i32>} : memref<640xf32, #tpu.memory_space<vmem>>, vector<16xf32>,
      tpu.vector_store %arg7[%swap3A_1160], %select_n3A_1159 {strides = array<i32>} : memref<640xf32, #tpu.memory_space<vmem>>, vector<16xf32>,
      %add3A_1162 = arith.constant 592 : i32
      %add3A_1163 = arith.addi %mul3A_648, %add3A_1162 : i32
      %get3A_1164 = arith.index_cast %add3A_1163 : i32 to index
      %get3A_1165 = tpu.vector_load %arg6[%get3A_1164] {strides = array<i32>} : memref<25600xi32, #tpu.memory_space<vmem>>, vector<16xi32>,
      %ne3A_1166 = arith.constant 0 : i32
      %ne3A_1167 = vector.broadcast %ne3A_1166 : i32 to vector<16xi32>
      %ne3A_1168 = arith.cmpi ne, %get3A_1165, %ne3A_1167 : vector<16xi32>
      %jit3A_1169 = arith.constant 1.000000e+00 : f32
      %jit3A_1170 = arith.constant 0.000000e+00 : f32
      %broadcast_in_dim3A_1171 = vector.broadcast %jit3A_1169 : f32 to vector<16xf32>
      %broadcast_in_dim3A_1172 = vector.broadcast %jit3A_1170 : f32 to vector<16xf32>
      %select_n3A_1173 = arith.select %ne3A_1168, %broadcast_in_dim3A_1171, %broadcast_in_dim3A_1172 : vector<16xi1>, vector<16xf32>
      %swap3A_1174 = arith.constant 592 : index
      %swap3A_1175 = tpu.vector_load %arg7[%swap3A_1174] {strides = array<i32>} : memref<640xf32, #tpu.memory_space<vmem>>, vector<16xf32>,
      tpu.vector_store %arg7[%swap3A_1174], %select_n3A_1173 {strides = array<i32>} : memref<640xf32, #tpu.memory_space<vmem>>, vector<16xf32>,
      %add3A_1176 = arith.constant 608 : i32
      %add3A_1177 = arith.addi %mul3A_648, %add3A_1176 : i32
      %get3A_1178 = arith.index_cast %add3A_1177 : i32 to index
      %get3A_1179 = tpu.vector_load %arg6[%get3A_1178] {strides = array<i32>} : memref<25600xi32, #tpu.memory_space<vmem>>, vector<16xi32>,
      %ne3A_1180 = arith.constant 0 : i32
      %ne3A_1181 = vector.broadcast %ne3A_1180 : i32 to vector<16xi32>
      %ne3A_1182 = arith.cmpi ne, %get3A_1179, %ne3A_1181 : vector<16xi32>
      %jit3A_1183 = arith.constant 1.000000e+00 : f32
      %jit3A_1184 = arith.constant 0.000000e+00 : f32
      %broadcast_in_dim3A_1185 = vector.broadcast %jit3A_1183 : f32 to vector<16xf32>
      %broadcast_in_dim3A_1186 = vector.broadcast %jit3A_1184 : f32 to vector<16xf32>
      %select_n3A_1187 = arith.select %ne3A_1182, %broadcast_in_dim3A_1185, %broadcast_in_dim3A_1186 : vector<16xi1>, vector<16xf32>
      %swap3A_1188 = arith.constant 608 : index
      %swap3A_1189 = tpu.vector_load %arg7[%swap3A_1188] {strides = array<i32>} : memref<640xf32, #tpu.memory_space<vmem>>, vector<16xf32>,
      tpu.vector_store %arg7[%swap3A_1188], %select_n3A_1187 {strides = array<i32>} : memref<640xf32, #tpu.memory_space<vmem>>, vector<16xf32>,
      %add3A_1190 = arith.constant 624 : i32
      %add3A_1191 = arith.addi %mul3A_648, %add3A_1190 : i32
      %get3A_1192 = arith.index_cast %add3A_1191 : i32 to index
      %get3A_1193 = tpu.vector_load %arg6[%get3A_1192] {strides = array<i32>} : memref<25600xi32, #tpu.memory_space<vmem>>, vector<16xi32>,
      %ne3A_1194 = arith.constant 0 : i32
      %ne3A_1195 = vector.broadcast %ne3A_1194 : i32 to vector<16xi32>
      %ne3A_1196 = arith.cmpi ne, %get3A_1193, %ne3A_1195 : vector<16xi32>
      %jit3A_1197 = arith.constant 1.000000e+00 : f32
      %jit3A_1198 = arith.constant 0.000000e+00 : f32
      %broadcast_in_dim3A_1199 = vector.broadcast %jit3A_1197 : f32 to vector<16xf32>
      %broadcast_in_dim3A_1200 = vector.broadcast %jit3A_1198 : f32 to vector<16xf32>
      %select_n3A_1201 = arith.select %ne3A_1196, %broadcast_in_dim3A_1199, %broadcast_in_dim3A_1200 : vector<16xi1>, vector<16xf32>
      %swap3A_1202 = arith.constant 624 : index
      %swap3A_1203 = tpu.vector_load %arg7[%swap3A_1202] {strides = array<i32>} : memref<640xf32, #tpu.memory_space<vmem>>, vector<16xf32>,
      tpu.vector_store %arg7[%swap3A_1202], %select_n3A_1201 {strides = array<i32>} : memref<640xf32, #tpu.memory_space<vmem>>, vector<16xf32>,
      %mul3A_1204 = arith.constant 640 : i32
      %mul3A_1205 = arith.muli %scan3A_43, %mul3A_1204 : i32
      %add3A_1206 = arith.addi %mul3A_2, %mul3A_1205 : i32
      %dma_start3A_1207 = tpu.memref_slice %arg5[%add3A_1206] : memref<819200xf32, #tpu.memory_space<hbm>> -> memref<640xf32, #tpu.memory_space<hbm>>
      %dma_start3A_1208 = tpu.memref_slice %arg5[%add3A_1206] : memref<819200xf32, #tpu.memory_space<hbm>> -> memref<640xf32, #tpu.memory_space<hbm>>
      tpu.enqueue_dma source(%arg7 : memref<640xf32, #tpu.memory_space<vmem>>) target(%dma_start3A_1208 : memref<640xf32, #tpu.memory_space<hbm>>) target_semaphore(%arg33 : memref<!tpu.dma_semaphore, #tpu.memory_space<semaphore_mem>>)
      %mul3A_1209 = arith.constant 5 : i32
      %mul3A_1210 = arith.muli %scan3A_43, %mul3A_1209 : i32
      %add3A_1211 = arith.constant 0 : i32
      %add3A_1212 = arith.addi %mul3A_1210, %add3A_1211 : i32
      %dma_wait3A_1213 = arith.constant 0 : i32
      %dma_wait3A_1214 = arith.constant 0 : i32
      %dma_wait3A_1215 = tpu.memref_slice %arg13[%dma_wait3A_1213, %dma_wait3A_1214] : memref<128x128xf32, #tpu.memory_space<vmem>> -> memref<64x128xf32, #tpu.memory_space<vmem>>
      %dma_wait3A_1216 = arith.constant 0 : i32
      %dma_wait3A_1217 = tpu.memref_slice %arg8[%dma_wait3A_1216] : memref<128xi32, #tpu.memory_space<vmem>> -> memref<64xi32, #tpu.memory_space<vmem>>
      %dma_wait3A_1218 = arith.constant 0 : i32
      %dma_wait3A_1219 = arith.constant 0 : i32
      %dma_wait3A_1220 = tpu.memref_slice %arg3[%dma_wait3A_1218, %dma_wait3A_1219] : memref<100000x128xf32, #tpu.memory_space<hbm>> -> memref<100000x128xf32, #tpu.memory_space<hbm>>
      tpu.wait_indirect_dma semaphore(%arg18 : memref<!tpu.dma_semaphore, #tpu.memory_space<semaphore_mem>>) src(%dma_wait3A_1220 : memref<100000x128xf32, #tpu.memory_space<hbm>>) dst(%dma_wait3A_1215 : memref<64x128xf32, #tpu.memory_space<vmem>>)
      %dma_wait3A_1221 = arith.constant 64 : i32
      %dma_wait3A_1222 = arith.constant 0 : i32
      %dma_wait3A_1223 = tpu.memref_slice %arg13[%dma_wait3A_1221, %dma_wait3A_1222] : memref<128x128xf32, #tpu.memory_space<vmem>> -> memref<64x128xf32, #tpu.memory_space<vmem>>
      %dma_wait3A_1224 = arith.constant 64 : i32
      %dma_wait3A_1225 = tpu.memref_slice %arg8[%dma_wait3A_1224] : memref<128xi32, #tpu.memory_space<vmem>> -> memref<64xi32, #tpu.memory_space<vmem>>
      %dma_wait3A_1226 = arith.constant 0 : i32
      %dma_wait3A_1227 = arith.constant 0 : i32
      %dma_wait3A_1228 = tpu.memref_slice %arg3[%dma_wait3A_1226, %dma_wait3A_1227] : memref<100000x128xf32, #tpu.memory_space<hbm>> -> memref<100000x128xf32, #tpu.memory_space<hbm>>
      tpu.wait_indirect_dma semaphore(%arg23 : memref<!tpu.dma_semaphore, #tpu.memory_space<semaphore_mem>>) src(%dma_wait3A_1228 : memref<100000x128xf32, #tpu.memory_space<hbm>>) dst(%dma_wait3A_1223 : memref<64x128xf32, #tpu.memory_space<vmem>>)
      %mul3A_1229 = arith.constant 4096 : i32
      %mul3A_1230 = arith.muli %add3A_1212, %mul3A_1229 : i32
      %add3A_1231 = arith.addi %mul3A_1230, %mul3A_4 : i32
      %dma_start3A_1232 = arith.constant 0 : i32
      %dma_start3A_1233 = tpu.memref_slice %arg4[%add3A_1231, %dma_start3A_1232] : memref<819200x128xf32, #tpu.memory_space<hbm>> -> memref<128x128xf32, #tpu.memory_space<hbm>>
      %dma_start3A_1234 = arith.constant 0 : i32
      %dma_start3A_1235 = tpu.memref_slice %arg4[%add3A_1231, %dma_start3A_1234] : memref<819200x128xf32, #tpu.memory_space<hbm>> -> memref<128x128xf32, #tpu.memory_space<hbm>>
      tpu.enqueue_dma source(%arg13 : memref<128x128xf32, #tpu.memory_space<vmem>>) target(%dma_start3A_1235 : memref<128x128xf32, #tpu.memory_space<hbm>>) target_semaphore(%arg28 : memref<!tpu.dma_semaphore, #tpu.memory_space<semaphore_mem>>)
      %mul3A_1236 = arith.constant 5 : i32
      %mul3A_1237 = arith.muli %scan3A_43, %mul3A_1236 : i32
      %add3A_1238 = arith.constant 1 : i32
      %add3A_1239 = arith.addi %mul3A_1237, %add3A_1238 : i32
      %dma_wait3A_1240 = arith.constant 0 : i32
      %dma_wait3A_1241 = arith.constant 0 : i32
      %dma_wait3A_1242 = tpu.memref_slice %arg14[%dma_wait3A_1240, %dma_wait3A_1241] : memref<128x128xf32, #tpu.memory_space<vmem>> -> memref<64x128xf32, #tpu.memory_space<vmem>>
      %dma_wait3A_1243 = arith.constant 0 : i32
      %dma_wait3A_1244 = tpu.memref_slice %arg9[%dma_wait3A_1243] : memref<128xi32, #tpu.memory_space<vmem>> -> memref<64xi32, #tpu.memory_space<vmem>>
      %dma_wait3A_1245 = arith.constant 0 : i32
      %dma_wait3A_1246 = arith.constant 0 : i32
      %dma_wait3A_1247 = tpu.memref_slice %arg3[%dma_wait3A_1245, %dma_wait3A_1246] : memref<100000x128xf32, #tpu.memory_space<hbm>> -> memref<100000x128xf32, #tpu.memory_space<hbm>>
      tpu.wait_indirect_dma semaphore(%arg19 : memref<!tpu.dma_semaphore, #tpu.memory_space<semaphore_mem>>) src(%dma_wait3A_1247 : memref<100000x128xf32, #tpu.memory_space<hbm>>) dst(%dma_wait3A_1242 : memref<64x128xf32, #tpu.memory_space<vmem>>)
      %dma_wait3A_1248 = arith.constant 64 : i32
      %dma_wait3A_1249 = arith.constant 0 : i32
      %dma_wait3A_1250 = tpu.memref_slice %arg14[%dma_wait3A_1248, %dma_wait3A_1249] : memref<128x128xf32, #tpu.memory_space<vmem>> -> memref<64x128xf32, #tpu.memory_space<vmem>>
      %dma_wait3A_1251 = arith.constant 64 : i32
      %dma_wait3A_1252 = tpu.memref_slice %arg9[%dma_wait3A_1251] : memref<128xi32, #tpu.memory_space<vmem>> -> memref<64xi32, #tpu.memory_space<vmem>>
      %dma_wait3A_1253 = arith.constant 0 : i32
      %dma_wait3A_1254 = arith.constant 0 : i32
      %dma_wait3A_1255 = tpu.memref_slice %arg3[%dma_wait3A_1253, %dma_wait3A_1254] : memref<100000x128xf32, #tpu.memory_space<hbm>> -> memref<100000x128xf32, #tpu.memory_space<hbm>>
      tpu.wait_indirect_dma semaphore(%arg24 : memref<!tpu.dma_semaphore, #tpu.memory_space<semaphore_mem>>) src(%dma_wait3A_1255 : memref<100000x128xf32, #tpu.memory_space<hbm>>) dst(%dma_wait3A_1250 : memref<64x128xf32, #tpu.memory_space<vmem>>)
      %mul3A_1256 = arith.constant 4096 : i32
      %mul3A_1257 = arith.muli %add3A_1239, %mul3A_1256 : i32
      %add3A_1258 = arith.addi %mul3A_1257, %mul3A_4 : i32
      %dma_start3A_1259 = arith.constant 0 : i32
      %dma_start3A_1260 = tpu.memref_slice %arg4[%add3A_1258, %dma_start3A_1259] : memref<819200x128xf32, #tpu.memory_space<hbm>> -> memref<128x128xf32, #tpu.memory_space<hbm>>
      %dma_start3A_1261 = arith.constant 0 : i32
      %dma_start3A_1262 = tpu.memref_slice %arg4[%add3A_1258, %dma_start3A_1261] : memref<819200x128xf32, #tpu.memory_space<hbm>> -> memref<128x128xf32, #tpu.memory_space<hbm>>
      tpu.enqueue_dma source(%arg14 : memref<128x128xf32, #tpu.memory_space<vmem>>) target(%dma_start3A_1262 : memref<128x128xf32, #tpu.memory_space<hbm>>) target_semaphore(%arg29 : memref<!tpu.dma_semaphore, #tpu.memory_space<semaphore_mem>>)
      %mul3A_1263 = arith.constant 5 : i32
      %mul3A_1264 = arith.muli %scan3A_43, %mul3A_1263 : i32
      %add3A_1265 = arith.constant 2 : i32
      %add3A_1266 = arith.addi %mul3A_1264, %add3A_1265 : i32
      %dma_wait3A_1267 = arith.constant 0 : i32
      %dma_wait3A_1268 = arith.constant 0 : i32
      %dma_wait3A_1269 = tpu.memref_slice %arg15[%dma_wait3A_1267, %dma_wait3A_1268] : memref<128x128xf32, #tpu.memory_space<vmem>> -> memref<64x128xf32, #tpu.memory_space<vmem>>
      %dma_wait3A_1270 = arith.constant 0 : i32
      %dma_wait3A_1271 = tpu.memref_slice %arg10[%dma_wait3A_1270] : memref<128xi32, #tpu.memory_space<vmem>> -> memref<64xi32, #tpu.memory_space<vmem>>
      %dma_wait3A_1272 = arith.constant 0 : i32
      %dma_wait3A_1273 = arith.constant 0 : i32
      %dma_wait3A_1274 = tpu.memref_slice %arg3[%dma_wait3A_1272, %dma_wait3A_1273] : memref<100000x128xf32, #tpu.memory_space<hbm>> -> memref<100000x128xf32, #tpu.memory_space<hbm>>
      tpu.wait_indirect_dma semaphore(%arg20 : memref<!tpu.dma_semaphore, #tpu.memory_space<semaphore_mem>>) src(%dma_wait3A_1274 : memref<100000x128xf32, #tpu.memory_space<hbm>>) dst(%dma_wait3A_1269 : memref<64x128xf32, #tpu.memory_space<vmem>>)
      %dma_wait3A_1275 = arith.constant 64 : i32
      %dma_wait3A_1276 = arith.constant 0 : i32
      %dma_wait3A_1277 = tpu.memref_slice %arg15[%dma_wait3A_1275, %dma_wait3A_1276] : memref<128x128xf32, #tpu.memory_space<vmem>> -> memref<64x128xf32, #tpu.memory_space<vmem>>
      %dma_wait3A_1278 = arith.constant 64 : i32
      %dma_wait3A_1279 = tpu.memref_slice %arg10[%dma_wait3A_1278] : memref<128xi32, #tpu.memory_space<vmem>> -> memref<64xi32, #tpu.memory_space<vmem>>
      %dma_wait3A_1280 = arith.constant 0 : i32
      %dma_wait3A_1281 = arith.constant 0 : i32
      %dma_wait3A_1282 = tpu.memref_slice %arg3[%dma_wait3A_1280, %dma_wait3A_1281] : memref<100000x128xf32, #tpu.memory_space<hbm>> -> memref<100000x128xf32, #tpu.memory_space<hbm>>
      tpu.wait_indirect_dma semaphore(%arg25 : memref<!tpu.dma_semaphore, #tpu.memory_space<semaphore_mem>>) src(%dma_wait3A_1282 : memref<100000x128xf32, #tpu.memory_space<hbm>>) dst(%dma_wait3A_1277 : memref<64x128xf32, #tpu.memory_space<vmem>>)
      %mul3A_1283 = arith.constant 4096 : i32
      %mul3A_1284 = arith.muli %add3A_1266, %mul3A_1283 : i32
      %add3A_1285 = arith.addi %mul3A_1284, %mul3A_4 : i32
      %dma_start3A_1286 = arith.constant 0 : i32
      %dma_start3A_1287 = tpu.memref_slice %arg4[%add3A_1285, %dma_start3A_1286] : memref<819200x128xf32, #tpu.memory_space<hbm>> -> memref<128x128xf32, #tpu.memory_space<hbm>>
      %dma_start3A_1288 = arith.constant 0 : i32
      %dma_start3A_1289 = tpu.memref_slice %arg4[%add3A_1285, %dma_start3A_1288] : memref<819200x128xf32, #tpu.memory_space<hbm>> -> memref<128x128xf32, #tpu.memory_space<hbm>>
      tpu.enqueue_dma source(%arg15 : memref<128x128xf32, #tpu.memory_space<vmem>>) target(%dma_start3A_1289 : memref<128x128xf32, #tpu.memory_space<hbm>>) target_semaphore(%arg30 : memref<!tpu.dma_semaphore, #tpu.memory_space<semaphore_mem>>)
      %mul3A_1290 = arith.constant 5 : i32
      %mul3A_1291 = arith.muli %scan3A_43, %mul3A_1290 : i32
      %add3A_1292 = arith.constant 3 : i32
      %add3A_1293 = arith.addi %mul3A_1291, %add3A_1292 : i32
      %dma_wait3A_1294 = arith.constant 0 : i32
      %dma_wait3A_1295 = arith.constant 0 : i32
      %dma_wait3A_1296 = tpu.memref_slice %arg16[%dma_wait3A_1294, %dma_wait3A_1295] : memref<128x128xf32, #tpu.memory_space<vmem>> -> memref<64x128xf32, #tpu.memory_space<vmem>>
      %dma_wait3A_1297 = arith.constant 0 : i32
      %dma_wait3A_1298 = tpu.memref_slice %arg11[%dma_wait3A_1297] : memref<128xi32, #tpu.memory_space<vmem>> -> memref<64xi32, #tpu.memory_space<vmem>>
      %dma_wait3A_1299 = arith.constant 0 : i32
      %dma_wait3A_1300 = arith.constant 0 : i32
      %dma_wait3A_1301 = tpu.memref_slice %arg3[%dma_wait3A_1299, %dma_wait3A_1300] : memref<100000x128xf32, #tpu.memory_space<hbm>> -> memref<100000x128xf32, #tpu.memory_space<hbm>>
      tpu.wait_indirect_dma semaphore(%arg21 : memref<!tpu.dma_semaphore, #tpu.memory_space<semaphore_mem>>) src(%dma_wait3A_1301 : memref<100000x128xf32, #tpu.memory_space<hbm>>) dst(%dma_wait3A_1296 : memref<64x128xf32, #tpu.memory_space<vmem>>)
      %dma_wait3A_1302 = arith.constant 64 : i32
      %dma_wait3A_1303 = arith.constant 0 : i32
      %dma_wait3A_1304 = tpu.memref_slice %arg16[%dma_wait3A_1302, %dma_wait3A_1303] : memref<128x128xf32, #tpu.memory_space<vmem>> -> memref<64x128xf32, #tpu.memory_space<vmem>>
      %dma_wait3A_1305 = arith.constant 64 : i32
      %dma_wait3A_1306 = tpu.memref_slice %arg11[%dma_wait3A_1305] : memref<128xi32, #tpu.memory_space<vmem>> -> memref<64xi32, #tpu.memory_space<vmem>>
      %dma_wait3A_1307 = arith.constant 0 : i32
      %dma_wait3A_1308 = arith.constant 0 : i32
      %dma_wait3A_1309 = tpu.memref_slice %arg3[%dma_wait3A_1307, %dma_wait3A_1308] : memref<100000x128xf32, #tpu.memory_space<hbm>> -> memref<100000x128xf32, #tpu.memory_space<hbm>>
      tpu.wait_indirect_dma semaphore(%arg26 : memref<!tpu.dma_semaphore, #tpu.memory_space<semaphore_mem>>) src(%dma_wait3A_1309 : memref<100000x128xf32, #tpu.memory_space<hbm>>) dst(%dma_wait3A_1304 : memref<64x128xf32, #tpu.memory_space<vmem>>)
      %mul3A_1310 = arith.constant 4096 : i32
      %mul3A_1311 = arith.muli %add3A_1293, %mul3A_1310 : i32
      %add3A_1312 = arith.addi %mul3A_1311, %mul3A_4 : i32
      %dma_start3A_1313 = arith.constant 0 : i32
      %dma_start3A_1314 = tpu.memref_slice %arg4[%add3A_1312, %dma_start3A_1313] : memref<819200x128xf32, #tpu.memory_space<hbm>> -> memref<128x128xf32, #tpu.memory_space<hbm>>
      %dma_start3A_1315 = arith.constant 0 : i32
      %dma_start3A_1316 = tpu.memref_slice %arg4[%add3A_1312, %dma_start3A_1315] : memref<819200x128xf32, #tpu.memory_space<hbm>> -> memref<128x128xf32, #tpu.memory_space<hbm>>
      tpu.enqueue_dma source(%arg16 : memref<128x128xf32, #tpu.memory_space<vmem>>) target(%dma_start3A_1316 : memref<128x128xf32, #tpu.memory_space<hbm>>) target_semaphore(%arg31 : memref<!tpu.dma_semaphore, #tpu.memory_space<semaphore_mem>>)
      %mul3A_1317 = arith.constant 5 : i32
      %mul3A_1318 = arith.muli %scan3A_43, %mul3A_1317 : i32
      %add3A_1319 = arith.constant 4 : i32
      %add3A_1320 = arith.addi %mul3A_1318, %add3A_1319 : i32
      %dma_wait3A_1321 = arith.constant 0 : i32
      %dma_wait3A_1322 = arith.constant 0 : i32
      %dma_wait3A_1323 = tpu.memref_slice %arg17[%dma_wait3A_1321, %dma_wait3A_1322] : memref<128x128xf32, #tpu.memory_space<vmem>> -> memref<64x128xf32, #tpu.memory_space<vmem>>
      %dma_wait3A_1324 = arith.constant 0 : i32
      %dma_wait3A_1325 = tpu.memref_slice %arg12[%dma_wait3A_1324] : memref<128xi32, #tpu.memory_space<vmem>> -> memref<64xi32, #tpu.memory_space<vmem>>
      %dma_wait3A_1326 = arith.constant 0 : i32
      %dma_wait3A_1327 = arith.constant 0 : i32
      %dma_wait3A_1328 = tpu.memref_slice %arg3[%dma_wait3A_1326, %dma_wait3A_1327] : memref<100000x128xf32, #tpu.memory_space<hbm>> -> memref<100000x128xf32, #tpu.memory_space<hbm>>
      tpu.wait_indirect_dma semaphore(%arg22 : memref<!tpu.dma_semaphore, #tpu.memory_space<semaphore_mem>>) src(%dma_wait3A_1328 : memref<100000x128xf32, #tpu.memory_space<hbm>>) dst(%dma_wait3A_1323 : memref<64x128xf32, #tpu.memory_space<vmem>>)
      %dma_wait3A_1329 = arith.constant 64 : i32
      %dma_wait3A_1330 = arith.constant 0 : i32
      %dma_wait3A_1331 = tpu.memref_slice %arg17[%dma_wait3A_1329, %dma_wait3A_1330] : memref<128x128xf32, #tpu.memory_space<vmem>> -> memref<64x128xf32, #tpu.memory_space<vmem>>
      %dma_wait3A_1332 = arith.constant 64 : i32
      %dma_wait3A_1333 = tpu.memref_slice %arg12[%dma_wait3A_1332] : memref<128xi32, #tpu.memory_space<vmem>> -> memref<64xi32, #tpu.memory_space<vmem>>
      %dma_wait3A_1334 = arith.constant 0 : i32
      %dma_wait3A_1335 = arith.constant 0 : i32
      %dma_wait3A_1336 = tpu.memref_slice %arg3[%dma_wait3A_1334, %dma_wait3A_1335] : memref<100000x128xf32, #tpu.memory_space<hbm>> -> memref<100000x128xf32, #tpu.memory_space<hbm>>
      tpu.wait_indirect_dma semaphore(%arg27 : memref<!tpu.dma_semaphore, #tpu.memory_space<semaphore_mem>>) src(%dma_wait3A_1336 : memref<100000x128xf32, #tpu.memory_space<hbm>>) dst(%dma_wait3A_1331 : memref<64x128xf32, #tpu.memory_space<vmem>>)
      %mul3A_1337 = arith.constant 4096 : i32
      %mul3A_1338 = arith.muli %add3A_1320, %mul3A_1337 : i32
      %add3A_1339 = arith.addi %mul3A_1338, %mul3A_4 : i32
      %dma_start3A_1340 = arith.constant 0 : i32
      %dma_start3A_1341 = tpu.memref_slice %arg4[%add3A_1339, %dma_start3A_1340] : memref<819200x128xf32, #tpu.memory_space<hbm>> -> memref<128x128xf32, #tpu.memory_space<hbm>>
      %dma_start3A_1342 = arith.constant 0 : i32
      %dma_start3A_1343 = tpu.memref_slice %arg4[%add3A_1339, %dma_start3A_1342] : memref<819200x128xf32, #tpu.memory_space<hbm>> -> memref<128x128xf32, #tpu.memory_space<hbm>>
      tpu.enqueue_dma source(%arg17 : memref<128x128xf32, #tpu.memory_space<vmem>>) target(%dma_start3A_1343 : memref<128x128xf32, #tpu.memory_space<hbm>>) target_semaphore(%arg32 : memref<!tpu.dma_semaphore, #tpu.memory_space<semaphore_mem>>)
    }
    %scan3A_9 = arith.constant 40 : i32
    %add3A_10 = arith.constant 798720 : i32
    %add3A_11 = arith.addi %add3A_10, %mul3A_4 : i32
    %dma_wait3A = arith.constant 0 : i32
    %dma_wait3A_12 = tpu.memref_slice %arg4[%add3A_11, %dma_wait3A] : memref<819200x128xf32, #tpu.memory_space<hbm>> -> memref<128x128xf32, #tpu.memory_space<hbm>>
    %dma_wait3A_13 = arith.constant 0 : i32
    %dma_wait3A_14 = tpu.memref_slice %arg4[%add3A_11, %dma_wait3A_13] : memref<819200x128xf32, #tpu.memory_space<hbm>> -> memref<128x128xf32, #tpu.memory_space<hbm>>
    tpu.wait_dma2 semaphore(%arg28 : memref<!tpu.dma_semaphore, #tpu.memory_space<semaphore_mem>>) src(%arg13 : memref<128x128xf32, #tpu.memory_space<vmem>>) dst(%dma_wait3A_14 : memref<128x128xf32, #tpu.memory_space<hbm>>)
    %add3A_15 = arith.constant 802816 : i32
    %add3A_16 = arith.addi %add3A_15, %mul3A_4 : i32
    %dma_wait3A_17 = arith.constant 0 : i32
    %dma_wait3A_18 = tpu.memref_slice %arg4[%add3A_16, %dma_wait3A_17] : memref<819200x128xf32, #tpu.memory_space<hbm>> -> memref<128x128xf32, #tpu.memory_space<hbm>>
    %dma_wait3A_19 = arith.constant 0 : i32
    %dma_wait3A_20 = tpu.memref_slice %arg4[%add3A_16, %dma_wait3A_19] : memref<819200x128xf32, #tpu.memory_space<hbm>> -> memref<128x128xf32, #tpu.memory_space<hbm>>
    tpu.wait_dma2 semaphore(%arg29 : memref<!tpu.dma_semaphore, #tpu.memory_space<semaphore_mem>>) src(%arg14 : memref<128x128xf32, #tpu.memory_space<vmem>>) dst(%dma_wait3A_20 : memref<128x128xf32, #tpu.memory_space<hbm>>)
    %add3A_21 = arith.constant 806912 : i32
    %add3A_22 = arith.addi %add3A_21, %mul3A_4 : i32
    %dma_wait3A_23 = arith.constant 0 : i32
    %dma_wait3A_24 = tpu.memref_slice %arg4[%add3A_22, %dma_wait3A_23] : memref<819200x128xf32, #tpu.memory_space<hbm>> -> memref<128x128xf32, #tpu.memory_space<hbm>>
    %dma_wait3A_25 = arith.constant 0 : i32
    %dma_wait3A_26 = tpu.memref_slice %arg4[%add3A_22, %dma_wait3A_25] : memref<819200x128xf32, #tpu.memory_space<hbm>> -> memref<128x128xf32, #tpu.memory_space<hbm>>
    tpu.wait_dma2 semaphore(%arg30 : memref<!tpu.dma_semaphore, #tpu.memory_space<semaphore_mem>>) src(%arg15 : memref<128x128xf32, #tpu.memory_space<vmem>>) dst(%dma_wait3A_26 : memref<128x128xf32, #tpu.memory_space<hbm>>)
    %add3A_27 = arith.constant 811008 : i32
    %add3A_28 = arith.addi %add3A_27, %mul3A_4 : i32
    %dma_wait3A_29 = arith.constant 0 : i32
    %dma_wait3A_30 = tpu.memref_slice %arg4[%add3A_28, %dma_wait3A_29] : memref<819200x128xf32, #tpu.memory_space<hbm>> -> memref<128x128xf32, #tpu.memory_space<hbm>>
    %dma_wait3A_31 = arith.constant 0 : i32
    %dma_wait3A_32 = tpu.memref_slice %arg4[%add3A_28, %dma_wait3A_31] : memref<819200x128xf32, #tpu.memory_space<hbm>> -> memref<128x128xf32, #tpu.memory_space<hbm>>
    tpu.wait_dma2 semaphore(%arg31 : memref<!tpu.dma_semaphore, #tpu.memory_space<semaphore_mem>>) src(%arg16 : memref<128x128xf32, #tpu.memory_space<vmem>>) dst(%dma_wait3A_32 : memref<128x128xf32, #tpu.memory_space<hbm>>)
    %add3A_33 = arith.constant 815104 : i32
    %add3A_34 = arith.addi %add3A_33, %mul3A_4 : i32
    %dma_wait3A_35 = arith.constant 0 : i32
    %dma_wait3A_36 = tpu.memref_slice %arg4[%add3A_34, %dma_wait3A_35] : memref<819200x128xf32, #tpu.memory_space<hbm>> -> memref<128x128xf32, #tpu.memory_space<hbm>>
    %dma_wait3A_37 = arith.constant 0 : i32
    %dma_wait3A_38 = tpu.memref_slice %arg4[%add3A_34, %dma_wait3A_37] : memref<819200x128xf32, #tpu.memory_space<hbm>> -> memref<128x128xf32, #tpu.memory_space<hbm>>
    tpu.wait_dma2 semaphore(%arg32 : memref<!tpu.dma_semaphore, #tpu.memory_space<semaphore_mem>>) src(%arg17 : memref<128x128xf32, #tpu.memory_space<vmem>>) dst(%dma_wait3A_38 : memref<128x128xf32, #tpu.memory_space<hbm>>)
    %add3A_39 = arith.constant 0 : i32
    %add3A_40 = arith.addi %mul3A_2, %add3A_39 : i32
    %dma_wait3A_41 = tpu.memref_slice %arg5[%add3A_40] : memref<819200xf32, #tpu.memory_space<hbm>> -> memref<640xf32, #tpu.memory_space<hbm>>
    %dma_wait3A_42 = tpu.memref_slice %arg5[%add3A_40] : memref<819200xf32, #tpu.memory_space<hbm>> -> memref<640xf32, #tpu.memory_space<hbm>>
    tpu.wait_dma2 semaphore(%arg33 : memref<!tpu.dma_semaphore, #tpu.memory_space<semaphore_mem>>) src(%arg7 : memref<640xf32, #tpu.memory_space<vmem>>) dst(%dma_wait3A_42 : memref<640xf32, #tpu.memory_space<hbm>>)
    return
  }
}

</mosaic_0001>

<sc_bundles>
// kernel: kernel.3.cloned.1.call-start
scs
__scs_entry_jumppad:
0x0: {  	(pc) =	sbr.rel $0x88, $3  }
0x1: {  	(tag) =	ssettag $0x0;
	lr =	simm.s32 $0x1  }
0x2: {  	[smem:$0x3F9F] =	sst lr;
	_ =	strace $0xD0000000  }
0x3: {  	_ = 	snop  }
0x4: {  	_ = 	snop  }
0x5: {  	_ = 	snop  }
0x6: {  	_ = 	snop  }
0x7: {  	_ = 	snop  }
__scs_overlays_trampoline_lowered:
0x8: {  	[smem:$0x3FAE] =	sst s0  }
0x9: {  	[smem:$0x3FAF] =	sst s1  }
0xa: {  	[smem:$0x3FB0] =	sst s2  }
0xb: {  	[smem:$0x3FB1] =	sst s3  }
0xc: {  	[smem:$0x3FB2] =	sst s4  }
0xd: {  	[smem:$0x3FB3] =	sst s5  }
0xe: {  	[smem:$0x3FB4] =	sst s6  }
0xf: {  	[smem:$0x3FB5] =	sst s7  }
0x10: {  	[smem:$0x3FB6] =	sst s8  }
0x11: {  	[smem:$0x3FB7] =	sst s9;
	s0 =	simm.s32 @!p0 $0x0  }
0x12: {  	s1 =	sld [smem:$0x3F9D];
	s0 =	simm.s32 @p0 $0x1  }
0x13: {  	[smem:$0x3FB8] =	sst s0;
	s0 =	simm.s32 @!p1 $0x0  }
0x14: {  	s2 =	sld [smem:$0x3F9C];
	s0 =	simm.s32 @p1 $0x1  }
0x15: {  	[smem:$0x3FB9] =	sst s0;
	s0 =	simm.s32 @!p2 $0x0  }
0x16: {  	s3 =	sld [smem:$0x3FDB];
	s0 =	simm.s32 @p2 $0x1  }
0x17: {  	s4 =	simm.s32 $0x1BF5;
	[smem:$0x3FBB] =	sst s0  }
0x18: {  	s0 =	sld [smem:$0x3F9E];
	_ =	swait.ge [sflag:s4], $0x0  }
0x19: {  	s7 =	sld [smem:$0x3F9F]  }
0x1a: {  	s8 =	sadd.s32 $0xFFFFE003, lr  }
0x1b: {  	s9 =	sadd.s32 $0xFFFFFEF7, lr;
	s5 =	simm.s32 $0xFFFFFFFF;
	p2 =	slt.u32 s8, $0xFFFFF086  }
0x1c: {  	p1 =	slt.u32 s9, $0xF7A;
	s5 =	simm.s32 @!p2 $0x0  }
0x1d: {  	s5 =	simm.s32 @p1 $0x1;
	p0 =	seq.s32 s7, s2  }
0x1e: {  	s7 =	smul.u32 @!p0 $0xF7A, s2;
	p2 =	seq.s32 @!p0 s5, $0x0  }
0x1f: {  	s9 =	smul.u32 $0xF7A, s1;
	s8 =	simm.s32 @!p0 $0x1BF5;
	p2 =	por !p2, p0  }
0x20: {  	[sflag:s8] =	ssyncset.s32 @!p0 $0xFFFFF086;
	s6 =	sadd.s32 @!p0 s3, s7;
	s7 =	simm.s32 @!p0 $0x108  }
0x21: {  	s3 =	sadd.s32 s3, s9;
	s6 =	sadd.s32 @!p0 $0x88, s6;
	s7 =	simm.s32 @p2 $0x1082  }
0x22: {  	[simem:s7], [sflag:s8] =	dma.local @!p0 [hbm:s6], $0xF7A  }
0x23: {  	s9 =	sor.u32 $0xD0000000, s2;
	s6 =	simm.s32 $0x108;
	_ =	swait.ge @!p0 [sflag:s8], $0x0  }
0x24: {  	s3 =	sadd.s32 $0x88, s3;
	s6 =	simm.s32 @!p1 $0x1082;
	[sflag:s4] =	ssyncset.s32 $0xFFFFF086  }
0x25: {  	[simem:s6], [sflag:s4] =	dma.local [hbm:s3], $0xF7A  }
0x26: {  	[smem:$0x3F9F] =	sst s1;
	(tag) =	ssettag s2;
	_ =	strace s9  }
0x27: {  	s1 =	sld [smem:$0x3FAF]  }
0x28: {  	s2 =	sld [smem:$0x3FB0]  }
0x29: {  	s4 =	sld [smem:$0x3FB2]  }
0x2a: {  	p0 =	seq.s32 s5, $0x0;
	s5 =	sld [smem:$0x3FB3]  }
0x2b: {  	s6 =	sld [smem:$0x3FB4]  }
0x2c: {  	s7 =	sld [smem:$0x3FB5]  }
0x2d: {  	s3 =	simm.s32 $0x108;
	s8 =	sld [smem:$0x3FB6]  }
0x2e: {  	s3 =	simm.s32 @!p0 $0x1082;
	s9 =	sld [smem:$0x3FB7]  }
0x2f: {  	lr =	sadd.s32 s0, s3;
	s0 =	sld [smem:$0x3FAE]  }
0x30: {  	s3 =	sld [smem:$0x3FB1]  }
0x31: {  	[smem:$0x3FBA] =	sst s10  }
0x32: {  	s10 =	sld [smem:$0x3FB8];
	_ =	sdelay $0x3  }
0x33: {  	p0 =	seq.s32 s10, $0x1;
	s10 =	sld [smem:$0x3FBA];
	_ =	sdelay $0x3  }
0x34: {  	[smem:$0x3FBA] =	sst s10  }
0x35: {  	s10 =	sld [smem:$0x3FB9];
	_ =	sdelay $0x3  }
0x36: {  	p1 =	seq.s32 s10, $0x1;
	s10 =	sld [smem:$0x3FBA];
	_ =	sdelay $0x3  }
0x37: {  	[smem:$0x3FBA] =	sst s10  }
0x38: {  	s10 =	sld [smem:$0x3FBB]  }
0x39: {  	_ = 	snop;
	(pc) =	sbr.ind lr, $3  }
0x3a: {  	_ = 	snop  }
0x3b: {  	_ = 	snop  }
0x3c: {  	p2 =	seq.s32 s10, $0x1;
	s10 =	sld [smem:$0x3FBA]  }
0x3d: {  	_ =	shalt  }
0x3e: {  	_ =	shalt  }
0x3f: {  	_ =	shalt  }
0x40: {  	_ =	shalt  }
0x41: {  	_ =	shalt  }
0x42: {  	_ =	shalt  }
0x43: {  	_ =	shalt  }
0x44: {  	_ =	shalt  }
0x45: {  	_ =	shalt  }
0x46: {  	_ =	shalt  }
0x47: {  	_ =	shalt  }
0x48: {  	_ =	shalt  }
0x49: {  	_ =	shalt  }
0x4a: {  	_ =	shalt  }
0x4b: {  	_ =	shalt  }
0x4c: {  	_ =	shalt  }
0x4d: {  	_ =	shalt  }
0x4e: {  	_ =	shalt  }
0x4f: {  	_ =	shalt  }
0x50: {  	_ =	shalt  }
0x51: {  	_ =	shalt  }
0x52: {  	_ =	shalt  }
0x53: {  	_ =	shalt  }
0x54: {  	_ =	shalt  }
0x55: {  	_ =	shalt  }
0x56: {  	_ =	shalt  }
0x57: {  	_ =	shalt  }
0x58: {  	_ =	shalt  }
0x59: {  	_ =	shalt  }
0x5a: {  	_ =	shalt  }
0x5b: {  	_ =	shalt  }
0x5c: {  	_ =	shalt  }
0x5d: {  	_ =	shalt  }
0x5e: {  	_ =	shalt  }
0x5f: {  	_ =	shalt  }
0x60: {  	_ =	shalt  }
0x61: {  	_ =	shalt  }
0x62: {  	_ =	shalt  }
0x63: {  	_ =	shalt  }
0x64: {  	_ =	shalt  }
0x65: {  	_ =	shalt  }
0x66: {  	_ =	shalt  }
0x67: {  	_ =	shalt  }
0x68: {  	_ =	shalt  }
0x69: {  	_ =	shalt  }
0x6a: {  	_ =	shalt  }
0x6b: {  	_ =	shalt  }
0x6c: {  	_ =	shalt  }
0x6d: {  	_ =	shalt  }
0x6e: {  	_ =	shalt  }
0x6f: {  	_ =	shalt  }
0x70: {  	_ =	shalt  }
0x71: {  	_ =	shalt  }
0x72: {  	_ =	shalt  }
0x73: {  	_ =	shalt  }
0x74: {  	_ =	shalt  }
0x75: {  	_ =	shalt  }
0x76: {  	_ =	shalt  }
0x77: {  	_ =	shalt  }
0x78: {  	_ =	shalt  }
0x79: {  	_ =	shalt  }
0x7a: {  	_ =	shalt  }
0x7b: {  	_ =	shalt  }
0x7c: {  	_ =	shalt  }
0x7d: {  	_ =	shalt  }
0x7e: {  	_ =	shalt  }
0x7f: {  	_ =	shalt  }
0x80: {  	_ =	shalt  }
0x81: {  	_ =	shalt  }
0x82: {  	_ =	shalt  }
0x83: {  	_ =	shalt  }
0x84: {  	_ =	shalt  }
0x85: {  	_ =	shalt  }
0x86: {  	_ =	shalt  }
0x87: {  	_ =	shalt  }
.Lfunc_end0:
.L_simem_size_0:
called_computation_lowered:
.L_overlay_start_0:
0x88: {  	s2 =	sld [smem:$0x3FD9]  }
0x89: {  	s3 =	sld [smem:$0x3FFE];
	_ =	sdelay $0x1  }
0x8a: {  	s1 =	srdreg.scid  }
0x8b: {  	s0 =	sand.u32 $0x1, s1  }
0x8c: {  	s14 =	sshll.u32 s0, $0xA;
	s2 =	sadd.s32 s3, s2  }
0x8d: {  	s2 =	sadd.s32 s2, s14  }
0x8e: {  	[smem:$0x3FC6] =	sst s2  }
0x8f: {  	_ = 	snop  }
0x90: {  	s2 =	sld [smem:$0x3FD0];
	_ =	sdelay $0x2  }
0x91: {  	s4 =	simm.s32 $0xA;
	s5 =	simm.s32 $0x10;
	s15 =	sld [smem:$0x3FC8]  }
0x92: {  	[smem:s5], [sflag:s4] =	dma.local [hbm:s2], $0x1  }
0x93: {  	_ =	swait.eq [sflag:s4], $0x1  }
0x94: {  	[sflag:s4] =	ssyncset.done $0x0  }
0x95: {  	s16 =	sld [smem:$0x10];
	[sflag:s4] =	ssyncadd.s32 $0xFFFFFFFF  }
0x96: {  	s17 =	sld [smem:$0x11];
	(tm) =	ssettm $0x1  }
0x97: {  	s18 =	sld [smem:$0x3FFB];
	_ =	sdelay $0x3  }
0x98: {  	_ =	strace s18  }
0x99: {  	s5 =	sld [smem:$0x3FFC];
	_ =	sdelay $0x3  }
0x9a: {  	_ =	strace s5  }
0x9b: {  	s5 =	sld [smem:$0x3FFD];
	_ =	sdelay $0x3  }
0x9c: {  	_ =	strace s5  }
0x9d: {  	_ =	strace $0x8FFFFFFF  }
0x9e: {  	s19 =	sld [smem:$0x3FDB];
	_ =	sdelay $0x1  }
0x9f: {  	s6 =	simm.s32 $_scs_section_size  }
0xa0: {  	s7 =	simm.s32 $_size__tile_overlayer_lowered;
	s8 =	simm.s32 $_tile_overlayer_lowered  }
0xa1: {  	s22 =	simm.s32 $0x1BFF;
	s21 =	sshll.u32 s8, $0x1;
	s5 =	sadd.s32 s6, s19  }
0xa2: {  	s9 =	simm.s32 $0x0;
	s20 =	sshll.u32 s7, $0x1;
	s7 =	sadd.s32 s21, s5  }
0xa3: {  	[timem:s9], [sflag:s22] =	dma.local [hbm:s7], s20  }
0xa4: {  	_ =	swait.ge [sflag:s22], s20  }
0xa5: {  	s6 =	ssub.s32 $0x0, s20;
	[sflag:s22] =	ssyncset.done $0x0  }
0xa6: {  	[sflag:s22] =	ssyncadd.s32 s6;
	_ =	sdelay $0x1  }
0xa7: {  	s23 =	simm.s32 $0x1B8B  }
0xa8: {  	_ =	swait.ge [sflag:s23], $0x1  }
0xa9: {  	[sflag:s23] =	ssyncset.done $0x0  }
0xaa: {  	s25 =	simm.s32 $0x1B8E;
	s24 =	sld [smem:$0x3FFE];
	[sflag:s23] =	ssyncadd.s32 $0xFFFFFFFF  }
0xab: {  	s26 =	simm.s32 $execute0_lowered;
	[smem:$0x3FD2] =	sst s25  }
0xac: {  	s7 =	sshll.u32 s26, $0x1;
	_ =	strace $0x80000046;
	[dreg:$0x1] =	wrdreg $0xFFFFFFFF  }
0xad: {  	s28 =	simm.s32 $_size_execute0_lowered;
	s5 =	sadd.s32 s5, s7;
	[dreg:$0x0] =	wrdreg $0x0  }
0xae: {  	s7 =	sshll.u32 s28, $0x1;
	[dreg:$0x2] =	wrdreg s5  }
0xaf: {  	[dreg:$0x3] =	wrdreg s7  }
0xb0: {  	[dreg:$0x4] =	wrdreg $0xC0  }
0xb1: {  	_ =	task [dreg:s9], $0x5FFFF  }
0xb2: {  	[dreg:$0x1] =	wrdreg $0xFFFFFFFF  }
0xb3: {  	[dreg:$0x0] =	wrdreg $0x60  }
0xb4: {  	[dreg:$0x2] =	wrdreg s17  }
0xb5: {  	[dreg:$0x3] =	wrdreg s15  }
0xb6: {  	[dreg:$0x4] =	wrdreg s16  }
0xb7: {  	[dreg:$0x5] =	wrdreg s24  }
0xb8: {  	[dreg:$0x6] =	wrdreg $0x9  }
0xb9: {  	_ =	task.clear_ibuf [dreg:s9], $0x7FFFF;
	_ =	strace $0x90000046  }
0xba: {  	s29 =	simm.s32 $0x9;
	_ =	strace $0x80000048  }
0xbb: {  	_ =	swait.ge [sflag:s29], $0x1  }
0xbc: {  	[sflag:s29] =	ssyncadd.s32 $0xFFFFFFFF  }
0xbd: {  	_ =	strace $0x90000048  }
0xbe: {  	_ =	sfence  }
0xbf: {  	s30 =	sld [smem:$0x0];
	_ =	sdelay $0x2  }
0xc0: {  	s31 =	sshll.u32 s1, $0xD;
	s1 =	sshrl.u32 s1, $0x2  }
0xc1: {  	s3 =	sand.u32 $0x4000, s31;
	s1 =	sadd.s32 s1, s30  }
0xc2: {  	s0 =	sor.u32 s3, s0;
	s1 =	sshll.u32 s1, $0x11  }
0xc3: {  	s0 =	sor.u32 s1, s0  }
0xc4: {  	s0 =	sadd.s32 $0x8F2B, s0  }
0xc5: {  	[sflag:s0] =	ssyncadd.remote.s32 $0x1  }
0xc6: {  	_ =	sfence.sel $0xFFFF  }
0xc7: {  	[dreg:$0x0] =	wrdreg $0xFFFFFFFF;
	(pc) =	sbr.abs _section_cstart, $3  }
0xc8: {  	[dreg:$0x1] =	wrdreg $0xFFFFFFFF  }
0xc9: {  	_ =	task.clear_ibuf [dreg:s9], $0x2FFFF;
	_ =	strace $0x9FFFFFFF  }
0xca: {  	(tm) =	ssettm $0x7FFFFFFF  }
0xcb: {  	_ =	shalt  }
tec
execute0_lowered:
.L_overlay_start_1:
0x0: {  	(tag) =	ssettag $0x1  }
0x1: {  	s0 =	rddreg [dreg:$0x0]  }
0x2: {  	s1 =	rddreg [dreg:$0x1]  }
0x3: {  	s2 =	srdreg.scid;
	s4 =	rddreg [dreg:$0x2]  }
0x4: {  	s9 =	stileid.u32;
	s6 =	rddreg [dreg:$0x3];
	s3 =	simm.s32 $0x0  }
0x5: {  	s26 =	simm.s32 $0x6680;
	s10 =	simm.s32 $0x66C0;
	s11 =	simm.s32 $0x8900  }
0x6: {  	s13 =	simm.s32 $0x6700;
	s14 =	simm.s32 $0x6740;
	[smem:$0x7FF] =	sst s3  }
0x7: {  	s15 =	simm.s32 $0xC900;
	_ =	strace $0x80000047;
	[dreg:$0x5] =	wrdreg s26  }
0x8: {  	s16 =	simm.s32 $0x6780;
	s17 =	simm.s32 $0x67C0;
	[dreg:$0x6] =	wrdreg s10  }
0x9: {  	s19 =	simm.s32 $0x10900;
	s20 =	simm.s32 $0x6800;
	[dreg:$0x7] =	wrdreg s11  }
0xa: {  	s21 =	simm.s32 $0x6840;
	s22 =	simm.s32 $0x14900;
	[dreg:$0x8] =	wrdreg s13  }
0xb: {  	s28 =	simm.s32 $0xD;
	s29 =	simm.s32 $0xE;
	[dreg:$0x9] =	wrdreg s14  }
0xc: {  	s30 =	simm.s32 $0xF;
	s31 =	simm.s32 $0x10;
	[dreg:$0xa] =	wrdreg s15  }
0xd: {  	s2 =	sand.u32 $0x1, s2;
	s5 =	smul.u32 $0xC800, s9;
	[dreg:$0xb] =	wrdreg s16  }
0xe: {  	s8 =	sshll.u32 s9, $0x1;
	s12 =	sshll.u32 s9, $0xC;
	[dreg:$0xc] =	wrdreg s17  }
0xf: {  	s9 =	simm.s32 $0x40;
	s7 =	smul.u32 $0x6400, s2;
	[dreg:$0xd] =	wrdreg s19  }
0x10: {  	s23 =	sor.u32 s2, s8;
	s24 =	ssub.s32 $0x2, s2;
	[dreg:$0xe] =	wrdreg s20  }
0x11: {  	s4 =	sadd.s32 s12, s4;
	s2 =	sshll.u32 s2, $0xB;
	[dreg:$0xf] =	wrdreg s21  }
0x12: {  	s10 =	simm.s32 $0x6900;
	s11 =	simm.s32 $0xA900;
	[dreg:$0x10] =	wrdreg s22  }
0x13: {  	s12 =	simm.s32 $0xE900;
	s13 =	simm.s32 $0x12900;
	s14 =	simm.s32 $0x16900  }
0x14: {  	s26 =	simm.s32 $0x6400;
	s15 =	simm.s32 $0x1;
	s16 =	simm.s32 $0x6  }
0x15: {  	s17 =	simm.s32 $0x2;
	s19 =	simm.s32 $0x3;
	s20 =	simm.s32 $0x8  }
0x16: {  	s21 =	simm.s32 $0x4;
	s22 =	simm.s32 $0x9;
	s2 =	sadd.s32 s2, s4  }
0x17: {  	[dreg:$0x14] =	wrdreg s26;
	s5 =	sadd.s32 s7, s5;
	s2 =	sadd.s32 $0x40000, s2  }
0x18: {  	s7 =	smul.u32 $0x6400, s23;
	s23 =	simm.s32 $0x6880;
	[dreg:$0x17] =	wrdreg s2  }
0x19: {  	s25 =	sshrl.u32 s24, $0x1;
	s5 =	sshrl.u32 s5, $0x3;
	[dreg:$0x11] =	wrdreg s23  }
0x1a: {  	v0 =	vlaneseq.u32;
	s5 =	sadd.s32 s5, s6;
	s6 =	ssub.s32 s24, s25;
	s24 =	simm.s32 $0x68C0  }
0x1b: {  	v0 =	vmul.u32 $0xC8, v0;
	s7 =	sshrl.u32 s7, $0x3;
	s25 =	simm.s32 $0x18900;
	[dreg:$0x12] =	wrdreg s24  }
0x1c: {  	s26 =	simm.s32 $0xC;
	s0 =	sadd.s32 s0, s7;
	[dreg:$0x13] =	wrdreg s25  }
0x1d: {  	v8 =	vimm.f32 $1.000000000e+00;
	v1 =	vadd.s32 $0xC80, v0;
	s23 =	simm.s32 $0x5;
	s6 =	smax.u32 s6, $0x1;
	[dreg:$0x15] =	wrdreg s0  }
0x1e: {  	v2 =	vadd.s32 $0x1900, v0;
	v3 =	vadd.s32 $0x2580, v0;
	v4 =	vadd.s32 $0x3200, v0;
	s2 =	simm.s32 $0x0;
	s18 =	sadd.s32 $0x800, s5;
	[dreg:$0x16] =	wrdreg s6  }
0x1f: {  	v5 =	vadd.s32 $0x3E80, v0;
	v6 =	vadd.s32 $0x4B00, v0;
	v7 =	vadd.s32 $0x5780, v0;
	s24 =	simm.s32 $0xA;
	[dreg:$0x18] =	wrdreg s18;
	s18 =	simm.s32 $0x7  }
.LBB2_1:
0x20: {  	s0 =	rddreg [dreg:$0x15];
	s25 =	simm.s32 $0x11  }
0x21: {  	[tilespmem:s3], [sflag:$0x11] =	stream.linear.gather [hbm4b:s0+s3], $0x6400, $0x38;
	[tilespmem:$0x1A900] =	vst v63  }
0x22: {  	_ =	swait.ge [sflag:s25], $0x6400  }
0x23: {  	s5 =	simm.s32 $0x4;
	[sflag:s25] =	ssyncset.done $0x0;
	s7 =	rddreg [dreg:$0x18]  }
0x24: {  	s0 =	simm.s32 $0x140;
	s6 =	rddreg [dreg:$0x17];
	[sflag:s25] =	ssyncadd.s32 $0xFFFF9C00  }
.LBB2_2:
0x25: {  	s4 =	sadd.s32 $0xFFFFFFFC, s5  }
0x26: {  	p0 =	seq.s32 s5, $0x4;
	v9 =	vadd.s32 s4, v0  }
0x27: {  	s8 =	simm.s32 @!p0 $0xB  }
0x28: {  	_ =	swait.ge @!p0 [sflag:s8], $0x4000  }
0x29: {  	[sflag:s8] =	ssyncset.done @!p0 $0x0  }
0x2a: {  	[sflag:s8] =	ssyncadd.s32 @!p0 $0xFFFFC000  }
0x2b: {  	v9 =	vld.idx.msk [tilespmem:v9+s3+$0x0], $0xffff  }
0x2c: {  	v10 =	vadd.s32 s4, v1;
	_ =	sdelay $0x3  }
0x2d: {  	[tilespmem:$0x6680] =	vst v9  }
0x2e: {  	v9 =	vld.idx.msk [tilespmem:v10+s3+$0x0], $0xffff  }
0x2f: {  	v10 =	vadd.s32 s4, v2;
	_ =	sdelay $0x3  }
0x30: {  	[tilespmem:$0x6690] =	vst v9  }
0x31: {  	v9 =	vld.idx.msk [tilespmem:v10+s3+$0x0], $0xffff  }
0x32: {  	v10 =	vadd.s32 s4, v3;
	_ =	sdelay $0x3  }
0x33: {  	[tilespmem:$0x66A0] =	vst v9  }
0x34: {  	v9 =	vld.idx.msk [tilespmem:v10+s3+$0x0], $0xffff  }
0x35: {  	v10 =	vadd.s32 s4, v4;
	_ =	sdelay $0x3  }
0x36: {  	[tilespmem:$0x66B0] =	vst v9  }
0x37: {  	v9 =	vld.idx.msk [tilespmem:v10+s3+$0x0], $0xffff  }
0x38: {  	v10 =	vadd.s32 s4, v5;
	_ =	sdelay $0x3  }
0x39: {  	[tilespmem:$0x66C0] =	vst v9  }
0x3a: {  	v9 =	vld.idx.msk [tilespmem:v10+s3+$0x0], $0xffff  }
0x3b: {  	v10 =	vadd.s32 s4, v6;
	_ =	sdelay $0x3  }
0x3c: {  	[tilespmem:$0x66D0] =	vst v9  }
0x3d: {  	v9 =	vld.idx.msk [tilespmem:v10+s3+$0x0], $0xffff  }
0x3e: {  	v10 =	vadd.s32 s4, v7;
	_ =	sdelay $0x3  }
0x3f: {  	[tilespmem:$0x66E0] =	vst v9  }
0x40: {  	v9 =	vld.idx.msk [tilespmem:v10+s3+$0x0], $0xffff;
	_ =	sdelay $0x3  }
0x41: {  	s25 =	rddreg [dreg:$0x7]  }
0x42: {  	s4 =	rddreg [dreg:$0x5];
	[tilespmem:$0x66F0] =	vst v9  }
0x43: {  	[tilespmem:s10], [sflag:$0x1] =	stream.indirect.gather [hbm4b:s1+s9], $0x80, s4, s9, $0xb8;
	[tilespmem:$0x1A900] =	vst v63  }
0x44: {  	s8 =	rddreg [dreg:$0x6];
	s4 =	sadd.s32 $0xFFFFFFFD, s5  }
0x45: {  	v9 =	vadd.s32 s4, v0;
	[tilespmem:s25], [sflag:$0x6] =	stream.indirect.gather [hbm4b:s1+s9], $0x80, s8, s9, $0xb8;
	[tilespmem:$0x1A900] =	vst v63  }
0x46: {  	s8 =	simm.s32 @!p0 $0xC  }
0x47: {  	_ =	swait.ge @!p0 [sflag:s8], $0x4000  }
0x48: {  	[sflag:s8] =	ssyncset.done @!p0 $0x0  }
0x49: {  	[sflag:s8] =	ssyncadd.s32 @!p0 $0xFFFFC000  }
0x4a: {  	v9 =	vld.idx.msk [tilespmem:v9+s3+$0x0], $0xffff  }
0x4b: {  	v10 =	vadd.s32 s4, v1;
	_ =	sdelay $0x3  }
0x4c: {  	[tilespmem:$0x6700] =	vst v9  }
0x4d: {  	v9 =	vld.idx.msk [tilespmem:v10+s3+$0x0], $0xffff  }
0x4e: {  	v10 =	vadd.s32 s4, v2;
	_ =	sdelay $0x3  }
0x4f: {  	[tilespmem:$0x6710] =	vst v9  }
0x50: {  	v9 =	vld.idx.msk [tilespmem:v10+s3+$0x0], $0xffff  }
0x51: {  	v10 =	vadd.s32 s4, v3;
	_ =	sdelay $0x3  }
0x52: {  	[tilespmem:$0x6720] =	vst v9  }
0x53: {  	v9 =	vld.idx.msk [tilespmem:v10+s3+$0x0], $0xffff  }
0x54: {  	v10 =	vadd.s32 s4, v4;
	_ =	sdelay $0x3  }
0x55: {  	[tilespmem:$0x6730] =	vst v9  }
0x56: {  	v9 =	vld.idx.msk [tilespmem:v10+s3+$0x0], $0xffff  }
0x57: {  	v10 =	vadd.s32 s4, v5;
	_ =	sdelay $0x3  }
0x58: {  	[tilespmem:$0x6740] =	vst v9  }
0x59: {  	v9 =	vld.idx.msk [tilespmem:v10+s3+$0x0], $0xffff  }
0x5a: {  	v10 =	vadd.s32 s4, v6;
	_ =	sdelay $0x3  }
0x5b: {  	[tilespmem:$0x6750] =	vst v9  }
0x5c: {  	v9 =	vld.idx.msk [tilespmem:v10+s3+$0x0], $0xffff  }
0x5d: {  	v10 =	vadd.s32 s4, v7;
	_ =	sdelay $0x3  }
0x5e: {  	[tilespmem:$0x6760] =	vst v9  }
0x5f: {  	v9 =	vld.idx.msk [tilespmem:v10+s3+$0x0], $0xffff;
	_ =	sdelay $0x3  }
0x60: {  	s25 =	rddreg [dreg:$0xa]  }
0x61: {  	s4 =	rddreg [dreg:$0x8];
	[tilespmem:$0x6770] =	vst v9  }
0x62: {  	[tilespmem:s11], [sflag:$0x2] =	stream.indirect.gather [hbm4b:s1+s9], $0x80, s4, s9, $0xb8;
	[tilespmem:$0x1A900] =	vst v63  }
0x63: {  	s8 =	rddreg [dreg:$0x9];
	s4 =	sadd.s32 $0xFFFFFFFE, s5  }
0x64: {  	v9 =	vadd.s32 s4, v0;
	[tilespmem:s25], [sflag:$0x7] =	stream.indirect.gather [hbm4b:s1+s9], $0x80, s8, s9, $0xb8;
	[tilespmem:$0x1A900] =	vst v63  }
0x65: {  	s8 =	simm.s32 @!p0 $0xD  }
0x66: {  	_ =	swait.ge @!p0 [sflag:s8], $0x4000  }
0x67: {  	[sflag:s8] =	ssyncset.done @!p0 $0x0  }
0x68: {  	[sflag:s8] =	ssyncadd.s32 @!p0 $0xFFFFC000  }
0x69: {  	v9 =	vld.idx.msk [tilespmem:v9+s3+$0x0], $0xffff  }
0x6a: {  	v10 =	vadd.s32 s4, v1;
	_ =	sdelay $0x3  }
0x6b: {  	[tilespmem:$0x6780] =	vst v9  }
0x6c: {  	v9 =	vld.idx.msk [tilespmem:v10+s3+$0x0], $0xffff  }
0x6d: {  	v10 =	vadd.s32 s4, v2;
	_ =	sdelay $0x3  }
0x6e: {  	[tilespmem:$0x6790] =	vst v9  }
0x6f: {  	v9 =	vld.idx.msk [tilespmem:v10+s3+$0x0], $0xffff  }
0x70: {  	v10 =	vadd.s32 s4, v3;
	_ =	sdelay $0x3  }
0x71: {  	[tilespmem:$0x67A0] =	vst v9  }
0x72: {  	v9 =	vld.idx.msk [tilespmem:v10+s3+$0x0], $0xffff  }
0x73: {  	v10 =	vadd.s32 s4, v4;
	_ =	sdelay $0x3  }
0x74: {  	[tilespmem:$0x67B0] =	vst v9  }
0x75: {  	v9 =	vld.idx.msk [tilespmem:v10+s3+$0x0], $0xffff  }
0x76: {  	v10 =	vadd.s32 s4, v5;
	_ =	sdelay $0x3  }
0x77: {  	[tilespmem:$0x67C0] =	vst v9  }
0x78: {  	v9 =	vld.idx.msk [tilespmem:v10+s3+$0x0], $0xffff  }
0x79: {  	v10 =	vadd.s32 s4, v6;
	_ =	sdelay $0x3  }
0x7a: {  	[tilespmem:$0x67D0] =	vst v9  }
0x7b: {  	v9 =	vld.idx.msk [tilespmem:v10+s3+$0x0], $0xffff  }
0x7c: {  	v10 =	vadd.s32 s4, v7;
	_ =	sdelay $0x3  }
0x7d: {  	[tilespmem:$0x67E0] =	vst v9  }
0x7e: {  	v9 =	vld.idx.msk [tilespmem:v10+s3+$0x0], $0xffff;
	_ =	sdelay $0x3  }
0x7f: {  	s25 =	rddreg [dreg:$0xd]  }
0x80: {  	s4 =	rddreg [dreg:$0xb];
	[tilespmem:$0x67F0] =	vst v9  }
0x81: {  	[tilespmem:s12], [sflag:$0x3] =	stream.indirect.gather [hbm4b:s1+s9], $0x80, s4, s9, $0xb8;
	[tilespmem:$0x1A900] =	vst v63  }
0x82: {  	s8 =	rddreg [dreg:$0xc];
	s4 =	sadd.s32 $0xFFFFFFFF, s5  }
0x83: {  	v9 =	vadd.s32 s4, v0;
	[tilespmem:s25], [sflag:$0x8] =	stream.indirect.gather [hbm4b:s1+s9], $0x80, s8, s9, $0xb8;
	[tilespmem:$0x1A900] =	vst v63  }
0x84: {  	s8 =	simm.s32 @!p0 $0xE  }
0x85: {  	_ =	swait.ge @!p0 [sflag:s8], $0x4000  }
0x86: {  	[sflag:s8] =	ssyncset.done @!p0 $0x0  }
0x87: {  	[sflag:s8] =	ssyncadd.s32 @!p0 $0xFFFFC000  }
0x88: {  	v9 =	vld.idx.msk [tilespmem:v9+s3+$0x0], $0xffff  }
0x89: {  	v10 =	vadd.s32 s4, v1;
	_ =	sdelay $0x3  }
0x8a: {  	[tilespmem:$0x6800] =	vst v9  }
0x8b: {  	v9 =	vld.idx.msk [tilespmem:v10+s3+$0x0], $0xffff  }
0x8c: {  	v10 =	vadd.s32 s4, v2;
	_ =	sdelay $0x3  }
0x8d: {  	[tilespmem:$0x6810] =	vst v9  }
0x8e: {  	v9 =	vld.idx.msk [tilespmem:v10+s3+$0x0], $0xffff  }
0x8f: {  	v10 =	vadd.s32 s4, v3;
	_ =	sdelay $0x3  }
0x90: {  	[tilespmem:$0x6820] =	vst v9  }
0x91: {  	v9 =	vld.idx.msk [tilespmem:v10+s3+$0x0], $0xffff  }
0x92: {  	v10 =	vadd.s32 s4, v4;
	_ =	sdelay $0x3  }
0x93: {  	[tilespmem:$0x6830] =	vst v9  }
0x94: {  	v9 =	vld.idx.msk [tilespmem:v10+s3+$0x0], $0xffff  }
0x95: {  	v10 =	vadd.s32 s4, v5;
	_ =	sdelay $0x3  }
0x96: {  	[tilespmem:$0x6840] =	vst v9  }
0x97: {  	v9 =	vld.idx.msk [tilespmem:v10+s3+$0x0], $0xffff  }
0x98: {  	v10 =	vadd.s32 s4, v6;
	_ =	sdelay $0x3  }
0x99: {  	[tilespmem:$0x6850] =	vst v9  }
0x9a: {  	v9 =	vld.idx.msk [tilespmem:v10+s3+$0x0], $0xffff  }
0x9b: {  	v10 =	vadd.s32 s4, v7;
	_ =	sdelay $0x3  }
0x9c: {  	[tilespmem:$0x6860] =	vst v9  }
0x9d: {  	v9 =	vld.idx.msk [tilespmem:v10+s3+$0x0], $0xffff;
	_ =	sdelay $0x3  }
0x9e: {  	s25 =	rddreg [dreg:$0x10]  }
0x9f: {  	s4 =	rddreg [dreg:$0xe];
	[tilespmem:$0x6870] =	vst v9  }
0xa0: {  	[tilespmem:s13], [sflag:$0x4] =	stream.indirect.gather [hbm4b:s1+s9], $0x80, s4, s9, $0xb8;
	[tilespmem:$0x1A900] =	vst v63  }
0xa1: {  	s8 =	rddreg [dreg:$0xf];
	v9 =	vadd.s32 s5, v0;
	s4 =	simm.s32 @!p0 $0xF  }
0xa2: {  	[tilespmem:s25], [sflag:$0x9] =	stream.indirect.gather [hbm4b:s1+s9], $0x80, s8, s9, $0xb8;
	[tilespmem:$0x1A900] =	vst v63  }
0xa3: {  	_ =	swait.ge @!p0 [sflag:s4], $0x4000  }
0xa4: {  	[sflag:s4] =	ssyncset.done @!p0 $0x0  }
0xa5: {  	[sflag:s4] =	ssyncadd.s32 @!p0 $0xFFFFC000  }
0xa6: {  	v9 =	vld.idx.msk [tilespmem:v9+s3+$0x0], $0xffff  }
0xa7: {  	v10 =	vadd.s32 s5, v1;
	_ =	sdelay $0x3  }
0xa8: {  	[tilespmem:$0x6880] =	vst v9  }
0xa9: {  	v9 =	vld.idx.msk [tilespmem:v10+s3+$0x0], $0xffff  }
0xaa: {  	v10 =	vadd.s32 s5, v2;
	_ =	sdelay $0x3  }
0xab: {  	[tilespmem:$0x6890] =	vst v9  }
0xac: {  	v9 =	vld.idx.msk [tilespmem:v10+s3+$0x0], $0xffff  }
0xad: {  	v10 =	vadd.s32 s5, v3;
	_ =	sdelay $0x3  }
0xae: {  	[tilespmem:$0x68A0] =	vst v9  }
0xaf: {  	v9 =	vld.idx.msk [tilespmem:v10+s3+$0x0], $0xffff  }
0xb0: {  	v10 =	vadd.s32 s5, v4;
	_ =	sdelay $0x3  }
0xb1: {  	[tilespmem:$0x68B0] =	vst v9  }
0xb2: {  	v9 =	vld.idx.msk [tilespmem:v10+s3+$0x0], $0xffff  }
0xb3: {  	v10 =	vadd.s32 s5, v5;
	_ =	sdelay $0x3  }
0xb4: {  	[tilespmem:$0x68C0] =	vst v9  }
0xb5: {  	v9 =	vld.idx.msk [tilespmem:v10+s3+$0x0], $0xffff  }
0xb6: {  	v10 =	vadd.s32 s5, v6;
	_ =	sdelay $0x3  }
0xb7: {  	[tilespmem:$0x68D0] =	vst v9  }
0xb8: {  	v9 =	vld.idx.msk [tilespmem:v10+s3+$0x0], $0xffff  }
0xb9: {  	v10 =	vadd.s32 s5, v7;
	_ =	sdelay $0x3  }
0xba: {  	[tilespmem:$0x68E0] =	vst v9  }
0xbb: {  	v9 =	vld.idx.msk [tilespmem:v10+s3+$0x0], $0xffff;
	_ =	sdelay $0x3  }
0xbc: {  	s8 =	rddreg [dreg:$0x12]  }
0xbd: {  	s4 =	rddreg [dreg:$0x11];
	[tilespmem:$0x68F0] =	vst v9  }
0xbe: {  	[tilespmem:s14], [sflag:$0x5] =	stream.indirect.gather [hbm4b:s1+s9], $0x80, s4, s9, $0xb8;
	[tilespmem:$0x1A900] =	vst v63  }
0xbf: {  	s25 =	rddreg [dreg:$0x13];
	s4 =	simm.s32 @!p0 $0x10  }
0xc0: {  	[tilespmem:s25], [sflag:$0xA] =	stream.indirect.gather [hbm4b:s1+s9], $0x80, s8, s9, $0xb8;
	[tilespmem:$0x1A900] =	vst v63  }
0xc1: {  	_ =	swait.ge @!p0 [sflag:s4], $0x280  }
0xc2: {  	[sflag:s4] =	ssyncset.done @!p0 $0x0  }
0xc3: {  	[sflag:s4] =	ssyncadd.s32 @!p0 $0xFFFFFD80  }
0xc4: {  	v9 =	vld [tilespmem:s0+$0xFFFFFEC0];
	_ =	sdelay $0x4  }
0xc5: {  	vm0 =	veq.s32 v9, $0x0  }
0xc6: {  	v9 =	vsel vm0, $0x0, v8  }
0xc7: {  	[tilespmem:$0x6400] =	vst v9  }
0xc8: {  	v9 =	vld [tilespmem:s0+$0xFFFFFED0];
	_ =	sdelay $0x4  }
0xc9: {  	vm13 =	veq.s32 v9, $0x0  }
0xca: {  	v9 =	vsel vm13, $0x0, v8  }
0xcb: {  	[tilespmem:$0x6410] =	vst v9  }
0xcc: {  	v9 =	vld [tilespmem:s0+$0xFFFFFEE0];
	_ =	sdelay $0x4  }
0xcd: {  	vm14 =	veq.s32 v9, $0x0  }
0xce: {  	v9 =	vsel vm14, $0x0, v8  }
0xcf: {  	[tilespmem:$0x6420] =	vst v9  }
0xd0: {  	v9 =	vld [tilespmem:s0+$0xFFFFFEF0];
	_ =	sdelay $0x4  }
0xd1: {  	vm15 =	veq.s32 v9, $0x0  }
0xd2: {  	v9 =	vsel vm15, $0x0, v8  }
0xd3: {  	[tilespmem:$0x6430] =	vst v9  }
0xd4: {  	v9 =	vld [tilespmem:s0+$0xFFFFFF00];
	_ =	sdelay $0x4  }
0xd5: {  	vm4 =	veq.s32 v9, $0x0  }
0xd6: {  	v9 =	vsel vm4, $0x0, v8  }
0xd7: {  	[tilespmem:$0x6440] =	vst v9  }
0xd8: {  	v9 =	vld [tilespmem:s0+$0xFFFFFF10];
	_ =	sdelay $0x4  }
0xd9: {  	vm5 =	veq.s32 v9, $0x0  }
0xda: {  	v9 =	vsel vm5, $0x0, v8  }
0xdb: {  	[tilespmem:$0x6450] =	vst v9  }
0xdc: {  	v9 =	vld [tilespmem:s0+$0xFFFFFF20];
	_ =	sdelay $0x4  }
0xdd: {  	vm6 =	veq.s32 v9, $0x0  }
0xde: {  	v9 =	vsel vm6, $0x0, v8  }
0xdf: {  	[tilespmem:$0x6460] =	vst v9  }
0xe0: {  	v9 =	vld [tilespmem:s0+$0xFFFFFF30];
	_ =	sdelay $0x4  }
0xe1: {  	vm7 =	veq.s32 v9, $0x0  }
0xe2: {  	v9 =	vsel vm7, $0x0, v8  }
0xe3: {  	[tilespmem:$0x6470] =	vst v9  }
0xe4: {  	v9 =	vld [tilespmem:s0+$0xFFFFFF40];
	_ =	sdelay $0x4  }
0xe5: {  	vm8 =	veq.s32 v9, $0x0  }
0xe6: {  	v9 =	vsel vm8, $0x0, v8  }
0xe7: {  	[tilespmem:$0x6480] =	vst v9  }
0xe8: {  	v9 =	vld [tilespmem:s0+$0xFFFFFF50];
	_ =	sdelay $0x4  }
0xe9: {  	vm9 =	veq.s32 v9, $0x0  }
0xea: {  	v9 =	vsel vm9, $0x0, v8  }
0xeb: {  	[tilespmem:$0x6490] =	vst v9  }
0xec: {  	v9 =	vld [tilespmem:s0+$0xFFFFFF60];
	_ =	sdelay $0x4  }
0xed: {  	vm10 =	veq.s32 v9, $0x0  }
0xee: {  	v9 =	vsel vm10, $0x0, v8  }
0xef: {  	[tilespmem:$0x64A0] =	vst v9  }
0xf0: {  	v9 =	vld [tilespmem:s0+$0xFFFFFF70];
	_ =	sdelay $0x4  }
0xf1: {  	vm11 =	veq.s32 v9, $0x0  }
0xf2: {  	v9 =	vsel vm11, $0x0, v8  }
0xf3: {  	[tilespmem:$0x64B0] =	vst v9  }
0xf4: {  	v9 =	vld [tilespmem:s0+$0xFFFFFF80];
	_ =	sdelay $0x4  }
0xf5: {  	vm12 =	veq.s32 v9, $0x0  }
0xf6: {  	v9 =	vsel vm12, $0x0, v8  }
0xf7: {  	[tilespmem:$0x64C0] =	vst v9  }
0xf8: {  	v9 =	vld [tilespmem:s0+$0xFFFFFF90];
	_ =	sdelay $0x4  }
0xf9: {  	vm13 =	veq.s32 v9, $0x0  }
0xfa: {  	v9 =	vsel vm13, $0x0, v8  }
0xfb: {  	[tilespmem:$0x64D0] =	vst v9  }
0xfc: {  	v9 =	vld [tilespmem:s0+$0xFFFFFFA0];
	_ =	sdelay $0x4  }
0xfd: {  	vm14 =	veq.s32 v9, $0x0  }
0xfe: {  	v9 =	vsel vm14, $0x0, v8  }
0xff: {  	[tilespmem:$0x64E0] =	vst v9  }
0x100: {  	v9 =	vld [tilespmem:s0+$0xFFFFFFB0];
	_ =	sdelay $0x4  }
0x101: {  	vm15 =	veq.s32 v9, $0x0  }
0x102: {  	v9 =	vsel vm15, $0x0, v8  }
0x103: {  	[tilespmem:$0x64F0] =	vst v9  }
0x104: {  	v9 =	vld [tilespmem:s0+$0xFFFFFFC0];
	_ =	sdelay $0x4  }
0x105: {  	vm4 =	veq.s32 v9, $0x0  }
0x106: {  	v9 =	vsel vm4, $0x0, v8  }
0x107: {  	[tilespmem:$0x6500] =	vst v9  }
0x108: {  	v9 =	vld [tilespmem:s0+$0xFFFFFFD0];
	_ =	sdelay $0x4  }
0x109: {  	vm5 =	veq.s32 v9, $0x0  }
0x10a: {  	v9 =	vsel vm5, $0x0, v8  }
0x10b: {  	[tilespmem:$0x6510] =	vst v9  }
0x10c: {  	v9 =	vld [tilespmem:s0+$0xFFFFFFE0];
	_ =	sdelay $0x4  }
0x10d: {  	vm6 =	veq.s32 v9, $0x0  }
0x10e: {  	v9 =	vsel vm6, $0x0, v8  }
0x10f: {  	[tilespmem:$0x6520] =	vst v9  }
0x110: {  	v9 =	vld [tilespmem:s0+$0xFFFFFFF0];
	_ =	sdelay $0x4  }
0x111: {  	vm7 =	veq.s32 v9, $0x0  }
0x112: {  	v9 =	vsel vm7, $0x0, v8  }
0x113: {  	[tilespmem:$0x6530] =	vst v9  }
0x114: {  	v9 =	vld [tilespmem:s0+$0x0];
	_ =	sdelay $0x4  }
0x115: {  	vm8 =	veq.s32 v9, $0x0  }
0x116: {  	v9 =	vsel vm8, $0x0, v8  }
0x117: {  	[tilespmem:$0x6540] =	vst v9  }
0x118: {  	v9 =	vld [tilespmem:s0+$0x10];
	_ =	sdelay $0x4  }
0x119: {  	vm9 =	veq.s32 v9, $0x0  }
0x11a: {  	v9 =	vsel vm9, $0x0, v8  }
0x11b: {  	[tilespmem:$0x6550] =	vst v9  }
0x11c: {  	v9 =	vld [tilespmem:s0+$0x20];
	_ =	sdelay $0x4  }
0x11d: {  	vm10 =	veq.s32 v9, $0x0  }
0x11e: {  	v9 =	vsel vm10, $0x0, v8  }
0x11f: {  	[tilespmem:$0x6560] =	vst v9  }
0x120: {  	v9 =	vld [tilespmem:s0+$0x30];
	_ =	sdelay $0x4  }
0x121: {  	vm11 =	veq.s32 v9, $0x0  }
0x122: {  	v9 =	vsel vm11, $0x0, v8  }
0x123: {  	[tilespmem:$0x6570] =	vst v9  }
0x124: {  	v9 =	vld [tilespmem:s0+$0x40];
	_ =	sdelay $0x4  }
0x125: {  	vm12 =	veq.s32 v9, $0x0  }
0x126: {  	v9 =	vsel vm12, $0x0, v8  }
0x127: {  	[tilespmem:$0x6580] =	vst v9  }
0x128: {  	v9 =	vld [tilespmem:s0+$0x50];
	_ =	sdelay $0x4  }
0x129: {  	vm13 =	veq.s32 v9, $0x0  }
0x12a: {  	v9 =	vsel vm13, $0x0, v8  }
0x12b: {  	[tilespmem:$0x6590] =	vst v9  }
0x12c: {  	v9 =	vld [tilespmem:s0+$0x60];
	_ =	sdelay $0x4  }
0x12d: {  	vm14 =	veq.s32 v9, $0x0  }
0x12e: {  	v9 =	vsel vm14, $0x0, v8  }
0x12f: {  	[tilespmem:$0x65A0] =	vst v9  }
0x130: {  	v9 =	vld [tilespmem:s0+$0x70];
	_ =	sdelay $0x4  }
0x131: {  	vm15 =	veq.s32 v9, $0x0  }
0x132: {  	v9 =	vsel vm15, $0x0, v8  }
0x133: {  	[tilespmem:$0x65B0] =	vst v9  }
0x134: {  	v9 =	vld [tilespmem:s0+$0x80];
	_ =	sdelay $0x4  }
0x135: {  	vm4 =	veq.s32 v9, $0x0  }
0x136: {  	v9 =	vsel vm4, $0x0, v8  }
0x137: {  	[tilespmem:$0x65C0] =	vst v9  }
0x138: {  	v9 =	vld [tilespmem:s0+$0x90];
	_ =	sdelay $0x4  }
0x139: {  	vm5 =	veq.s32 v9, $0x0  }
0x13a: {  	v9 =	vsel vm5, $0x0, v8  }
0x13b: {  	[tilespmem:$0x65D0] =	vst v9  }
0x13c: {  	v9 =	vld [tilespmem:s0+$0xA0];
	_ =	sdelay $0x4  }
0x13d: {  	vm6 =	veq.s32 v9, $0x0  }
0x13e: {  	v9 =	vsel vm6, $0x0, v8  }
0x13f: {  	[tilespmem:$0x65E0] =	vst v9  }
0x140: {  	v9 =	vld [tilespmem:s0+$0xB0];
	_ =	sdelay $0x4  }
0x141: {  	vm7 =	veq.s32 v9, $0x0  }
0x142: {  	v9 =	vsel vm7, $0x0, v8  }
0x143: {  	[tilespmem:$0x65F0] =	vst v9  }
0x144: {  	v9 =	vld [tilespmem:s0+$0xC0];
	_ =	sdelay $0x4  }
0x145: {  	vm8 =	veq.s32 v9, $0x0  }
0x146: {  	v9 =	vsel vm8, $0x0, v8  }
0x147: {  	[tilespmem:$0x6600] =	vst v9  }
0x148: {  	v9 =	vld [tilespmem:s0+$0xD0];
	_ =	sdelay $0x4  }
0x149: {  	vm9 =	veq.s32 v9, $0x0  }
0x14a: {  	v9 =	vsel vm9, $0x0, v8  }
0x14b: {  	[tilespmem:$0x6610] =	vst v9  }
0x14c: {  	v9 =	vld [tilespmem:s0+$0xE0];
	_ =	sdelay $0x4  }
0x14d: {  	vm10 =	veq.s32 v9, $0x0  }
0x14e: {  	v9 =	vsel vm10, $0x0, v8  }
0x14f: {  	[tilespmem:$0x6620] =	vst v9  }
0x150: {  	v9 =	vld [tilespmem:s0+$0xF0];
	_ =	sdelay $0x4  }
0x151: {  	vm11 =	veq.s32 v9, $0x0  }
0x152: {  	v9 =	vsel vm11, $0x0, v8  }
0x153: {  	[tilespmem:$0x6630] =	vst v9  }
0x154: {  	v9 =	vld [tilespmem:s0+$0x100];
	_ =	sdelay $0x4  }
0x155: {  	vm12 =	veq.s32 v9, $0x0  }
0x156: {  	v9 =	vsel vm12, $0x0, v8  }
0x157: {  	[tilespmem:$0x6640] =	vst v9  }
0x158: {  	v9 =	vld [tilespmem:s0+$0x110];
	_ =	sdelay $0x4  }
0x159: {  	vm13 =	veq.s32 v9, $0x0  }
0x15a: {  	v9 =	vsel vm13, $0x0, v8  }
0x15b: {  	[tilespmem:$0x6650] =	vst v9  }
0x15c: {  	v9 =	vld [tilespmem:s0+$0x120];
	_ =	sdelay $0x4  }
0x15d: {  	vm14 =	veq.s32 v9, $0x0  }
0x15e: {  	v9 =	vsel vm14, $0x0, v8  }
0x15f: {  	[tilespmem:$0x6660] =	vst v9  }
0x160: {  	v9 =	vld [tilespmem:s0+$0x130];
	_ =	sdelay $0x4  }
0x161: {  	vm15 =	veq.s32 v9, $0x0  }
0x162: {  	v9 =	vsel vm15, $0x0, v8  }
0x163: {  	s25 =	rddreg [dreg:$0x14];
	[tilespmem:$0x6670] =	vst v9  }
0x164: {  	[hbm4b:s7+s3] =	stream.linear.scatter [tilespmem:s25], [sflag:$0x10], $0x280, $0x38;
	[tilespmem:$0x1A900] =	vst v63  }
0x165: {  	_ =	swait.ge [sflag:s15], $0x2000  }
0x166: {  	[sflag:s15] =	ssyncset.done $0x0  }
0x167: {  	[sflag:s15] =	ssyncadd.s32 $0xFFFFE000  }
0x168: {  	_ =	swait.ge [sflag:s16], $0x2000  }
0x169: {  	[sflag:s16] =	ssyncset.done $0x0  }
0x16a: {  	s8 =	sadd.s32 $0xFFFC0000, s6;
	[sflag:s16] =	ssyncadd.s32 $0xFFFFE000  }
0x16b: {  	[hbm4b:s8+s3] =	stream.linear.scatter [tilespmem:s10], [sflag:$0xB], $0x4000, $0x38;
	[tilespmem:$0x1A900] =	vst v63  }
0x16c: {  	_ =	swait.ge [sflag:s17], $0x2000  }
0x16d: {  	[sflag:s17] =	ssyncset.done $0x0  }
0x16e: {  	[sflag:s17] =	ssyncadd.s32 $0xFFFFE000  }
0x16f: {  	_ =	swait.ge [sflag:s18], $0x2000  }
0x170: {  	[sflag:s18] =	ssyncset.done $0x0  }
0x171: {  	s25 =	sadd.s32 $0xFFFD0000, s6;
	[sflag:s18] =	ssyncadd.s32 $0xFFFFE000  }
0x172: {  	[hbm4b:s25+s3] =	stream.linear.scatter [tilespmem:s11], [sflag:$0xC], $0x4000, $0x38;
	[tilespmem:$0x1A900] =	vst v63  }
0x173: {  	_ =	swait.ge [sflag:s19], $0x2000  }
0x174: {  	[sflag:s19] =	ssyncset.done $0x0  }
0x175: {  	[sflag:s19] =	ssyncadd.s32 $0xFFFFE000  }
0x176: {  	_ =	swait.ge [sflag:s20], $0x2000  }
0x177: {  	[sflag:s20] =	ssyncset.done $0x0  }
0x178: {  	s8 =	sadd.s32 $0xFFFE0000, s6;
	[sflag:s20] =	ssyncadd.s32 $0xFFFFE000  }
0x179: {  	[hbm4b:s8+s3] =	stream.linear.scatter [tilespmem:s12], [sflag:$0xD], $0x4000, $0x38;
	[tilespmem:$0x1A900] =	vst v63  }
0x17a: {  	_ =	swait.ge [sflag:s21], $0x2000  }
0x17b: {  	[sflag:s21] =	ssyncset.done $0x0  }
0x17c: {  	[sflag:s21] =	ssyncadd.s32 $0xFFFFE000  }
0x17d: {  	_ =	swait.ge [sflag:s22], $0x2000  }
0x17e: {  	[sflag:s22] =	ssyncset.done $0x0  }
0x17f: {  	s25 =	sadd.s32 $0xFFFF0000, s6;
	[sflag:s22] =	ssyncadd.s32 $0xFFFFE000  }
0x180: {  	[hbm4b:s25+s3] =	stream.linear.scatter [tilespmem:s13], [sflag:$0xE], $0x4000, $0x38;
	[tilespmem:$0x1A900] =	vst v63  }
0x181: {  	_ =	swait.ge [sflag:s23], $0x2000  }
0x182: {  	s5 =	sadd.s32 $0x5, s5;
	[sflag:s23] =	ssyncset.done $0x0  }
0x183: {  	p0 =	sne.s32 s5, $0xCC;
	[sflag:s23] =	ssyncadd.s32 $0xFFFFE000  }
.Ltmp0:
0x184: {  	_ =	swait.ge [sflag:s24], $0x2000;
	(pc) =	sbr.rel @p0 .LBB2_2-.Ltmp0, $4  }
0x185: {  	[sflag:s24] =	ssyncset.done $0x0  }
0x186: {  	[sflag:s24] =	ssyncadd.s32 $0xFFFFE000  }
0x187: {  	[hbm4b:s6+s3] =	stream.linear.scatter [tilespmem:s14], [sflag:$0xF], $0x4000, $0x38;
	[tilespmem:$0x1A900] =	vst v63  }
0x188: {  	s0 =	sadd.s32 $0x280, s0;
	s7 =	sadd.s32 $0x50, s7;
	s6 =	sadd.s32 $0x50000, s6  }
0x189: {  	s0 =	simm.s32 $0xB  }
0x18a: {  	_ =	swait.ge [sflag:s0], $0x4000  }
0x18b: {  	[sflag:s0] =	ssyncset.done $0x0  }
0x18c: {  	[sflag:s0] =	ssyncadd.s32 $0xFFFFC000  }
0x18d: {  	_ =	swait.ge [sflag:s26], $0x4000  }
0x18e: {  	[sflag:s26] =	ssyncset.done $0x0  }
0x18f: {  	[sflag:s26] =	ssyncadd.s32 $0xFFFFC000  }
0x190: {  	_ =	swait.ge [sflag:s28], $0x4000  }
0x191: {  	[sflag:s28] =	ssyncset.done $0x0  }
0x192: {  	[sflag:s28] =	ssyncadd.s32 $0xFFFFC000  }
0x193: {  	_ =	swait.ge [sflag:s29], $0x4000  }
0x194: {  	[sflag:s29] =	ssyncset.done $0x0  }
0x195: {  	[sflag:s29] =	ssyncadd.s32 $0xFFFFC000  }
0x196: {  	_ =	swait.ge [sflag:s30], $0x4000  }
0x197: {  	[sflag:s30] =	ssyncset.done $0x0  }
0x198: {  	[sflag:s30] =	ssyncadd.s32 $0xFFFFC000  }
0x199: {  	_ =	swait.ge [sflag:s31], $0x280  }
0x19a: {  	s2 =	sadd.s32 $0x1, s2;
	s25 =	rddreg [dreg:$0x16]  }
0x19b: {  	p0 =	sne.s32 s2, s25  }
.Ltmp1:
0x19c: {  	_ = 	snop;
	(pc) =	sbr.rel @p0 .LBB2_1-.Ltmp1, $3  }
0x19d: {  	_ =	sdelay $0x1  }
0x19e: {  	[sflag:s31] =	ssyncset.done $0x0  }
0x19f: {  	[sflag:s31] =	ssyncadd.s32 $0xFFFFFD80  }
0x1a0: {  	_ =	sfence.sel $0x180000  }
0x1a1: {  	[bflag:$0x0] =	sbarrier.arrive $0xFFFF  }
0x1a2: {  	_ =	strace $0x90000047  }
0x1a3: {  	s0 =	stileid.u32;
	[bflag:$0x2] =	sbarrier.arrive $0xFFFF  }
0x1a4: {  	p0 =	sne.s32 s0, $0x0;
	s0 =	rddreg [dreg:$0x4]  }
0x1a5: {  	s0 =	sadd.s32 @!p0 $0x100000, s0  }
0x1a6: {  	[sflag:s0] =	ssyncadd.tile.s32 @!p0 $0x1;
	_ =	shalt  }
.Lfunc_end2:
_tile_overlayer_lowered:
.L_overlay_start_2:
0x1a7: {  	(tag) =	ssettag $0x2  }
0x1a8: {  	s0 =	rddreg [dreg:$0x0];
	s2 =	stileid.u32  }
0x1a9: {  	s1 =	rddreg [dreg:$0x1];
	p0 =	sne.s32 s2, $0x0  }
0x1aa: {  	s3 =	rddreg [dreg:$0x2];
	[bflag:$0x3] =	sbarrier.arrive $0xFFFF;
	s2 =	simm.s32 @!p0 $0x1C11  }
0x1ab: {  	[timem:s3], [sflag:s2] =	dma.local @!p0 [hbm:s0], s1  }
0x1ac: {  	s0 =	simm.s32 @!p0 $0x11  }
0x1ad: {  	_ =	swait.ge @!p0 [sflag:s0], s1  }
0x1ae: {  	s1 =	ssub.s32 @!p0 $0x0, s1;
	[sflag:s0] =	ssyncset.done @!p0 $0x0  }
0x1af: {  	[sflag:s0] =	ssyncadd.s32 @!p0 s1  }
0x1b0: {  	[bflag:$0x3] =	sbarrier.arrive $0xFFFF  }
0x1b1: {  	_ =	shalt  }

</sc_bundles>
